<compile_context>
chip_gen: v7x
topology: tpu7x:2x2x1
jax: 0.10.2.dev20260603
libtpu: 0.0.44.dev20260713+nightly
codegen_flags: <defaults>
</compile_context>

<pallas_src>
import functools

import jax
import jax.numpy as jnp
from jax import lax
from jax.experimental import pallas as pl
from jax.experimental.pallas import tpu as pltpu
from jax.experimental.pallas import tpu_sc as plsc

_LANES = 16
_OUT_CHUNK = 4096


@functools.lru_cache(maxsize=None)
def _make_gather(batch: int, embed_dim: int, num_tasks: int):
    info = plsc.get_sparse_core_info()
    nc, ns = info.num_cores, info.num_subcores
    nw = nc * ns
    dims_per_w = embed_dim // nw
    n_chunk = batch // _OUT_CHUNK
    unroll = 4
    mesh = plsc.VectorSubcoreMesh(core_axis_name="c", subcore_axis_name="s")

    @functools.partial(
        pl.kernel,
        mesh=mesh,
        out_type=jax.ShapeDtypeStruct((embed_dim, batch), jnp.float32),
        scratch_types=[
            pltpu.VMEM((batch,), jnp.int32),
            pltpu.VMEM((num_tasks,), jnp.float32),
            pltpu.VMEM((_OUT_CHUNK,), jnp.float32),
            pltpu.VMEM((_OUT_CHUNK,), jnp.float32),
            pltpu.SemaphoreType.DMA,
            pltpu.SemaphoreType.DMA,
        ],
        compiler_params=pltpu.CompilerParams(needs_layout_passes=False),
    )
    def gather_kernel(idx_hbm, tablet_hbm, outt_hbm, ids_v, row_v,
                      out_a, out_b, out_sem, row_sem):
        wid = lax.axis_index("s") * nc + lax.axis_index("c")
        d0 = wid * dims_per_w
        pltpu.make_async_copy(tablet_hbm.at[d0], row_v, row_sem).start()
        pltpu.sync_copy(idx_hbm, ids_v)
        n_inflight = 0
        for j in range(dims_per_w):
            d = d0 + j
            pltpu.make_async_copy(tablet_hbm.at[d], row_v, row_sem).wait()
            for c in range(n_chunk):
                out_v = out_a if (j * n_chunk + c) % 2 == 0 else out_b

                def body(o, c=c, out_v=out_v):
                    idx16 = ids_v[pl.ds(c * _OUT_CHUNK + o, _LANES)]
                    out_v[pl.ds(o, _LANES)] = plsc.load_gather(
                        row_v, [idx16]
                    )

                if n_inflight >= 2:
                    pltpu.make_async_copy(
                        outt_hbm.at[0, pl.ds(0, _OUT_CHUNK)],
                        out_v,
                        out_sem,
                    ).wait()
                    n_inflight -= 1
                plsc.parallel_loop(
                    0, _OUT_CHUNK, step=_LANES, unroll=unroll
                )(body)
                if c == n_chunk - 1 and j + 1 < dims_per_w:
                    pltpu.make_async_copy(
                        tablet_hbm.at[d + 1], row_v, row_sem
                    ).start()
                pltpu.make_async_copy(
                    out_v,
                    outt_hbm.at[d, pl.ds(c * _OUT_CHUNK, _OUT_CHUNK)],
                    out_sem,
                ).start()
                n_inflight += 1
        for _ in range(n_inflight):
            pltpu.make_async_copy(
                outt_hbm.at[0, pl.ds(0, _OUT_CHUNK)],
                out_a,
                out_sem,
            ).wait()

    return gather_kernel


def kernel(task_ids, embedding_weight):
    if task_ids.ndim == 2:
        task_ids = task_ids[:, 0]
    batch = task_ids.shape[0]
    num_tasks, embed_dim = embedding_weight.shape
    fn = _make_gather(batch, embed_dim, num_tasks)
    outt = fn(task_ids.astype(jnp.int32), embedding_weight.T)
    return outt.T

# --- scband reference (transcript-rebuilt; emitter-appended) ---
"""Pipeline reference for scband-task-embedding-23158463660073 (READ-ONLY COPY).

The authoritative reference and input builder live on the scoring server;
editing this copy changes nothing except your own understanding.
"""

import jax, jax.numpy as jnp
import numpy as np

NUM_TASKS = 100000
EMBED_DIM = 64
BATCH = 16384

def setup_inputs(seed: int = 0) -> dict:
    key = jax.random.key(seed)
    k_idx, k_tbl = jax.random.split(key)
    task_ids = jax.random.randint(k_idx, (BATCH,), 0, NUM_TASKS, dtype=jnp.int64 if jax.config.jax_enable_x64 else jnp.int32)
    embedding_weight = jax.random.normal(k_tbl, (NUM_TASKS, EMBED_DIM), dtype=jnp.float32) * 0.02
    return {"task_ids": task_ids, "embedding_weight": embedding_weight}

def reference(task_ids, embedding_weight):
    # squeeze trailing dim if 2D, as in torch module
    if task_ids.ndim == 2:
        task_ids = task_ids[:, 0]
    # embedding lookup (gather). dropout=0.0 -> identity
    task_emb = jnp.take(embedding_weight, task_ids, axis=0)
    return task_emb

if __name__ == "__main__":
    import jax
    _d = setup_inputs()
    print(jax.jit(kernel)(*tuple(_d.values())))

</pallas_src>

<mosaic_0001>
#map = affine_map<(d0, d1) -> (0)>
#map1 = affine_map<(d0, d1) -> (0, 0)>
module attributes {stable_mosaic.version = 14 : i64} {
  func.func @gather_kernel(%arg0: i32, %arg1: i32, %arg2: memref<16384xi32, #tpu.memory_space<hbm>>, %arg3: memref<64x100000xf32, #tpu.memory_space<hbm>>, %arg4: memref<64x16384xf32, #tpu.memory_space<hbm>>, %arg5: memref<16384xi32, #tpu.memory_space<vmem>>, %arg6: memref<100000xf32, #tpu.memory_space<vmem>>, %arg7: memref<4096xf32, #tpu.memory_space<vmem>>, %arg8: memref<4096xf32, #tpu.memory_space<vmem>>, %arg9: memref<!tpu.dma_semaphore, #tpu.memory_space<semaphore_mem>>, %arg10: memref<!tpu.dma_semaphore, #tpu.memory_space<semaphore_mem>>) attributes {dimension_semantics = [#tpu.dimension_semantics<core_parallel>, #tpu.dimension_semantics<subcore_parallel>], iteration_bounds = array<i64: 2, 16>, scalar_prefetch = 0 : i64, scratch_operands = 6 : i64, tpu.core_type = #tpu.core_type<sc_vector_subcore>, window_params = [{transform_indices = #map}, {transform_indices = #map1}, {transform_indices = #map1}]} {
    %mul3A = arith.constant 2 : i32
    %mul3A_0 = arith.muli %arg1, %mul3A : i32
    %add3A = arith.addi %mul3A_0, %arg0 : i32
    %mul3A_1 = arith.constant 2 : i32
    %mul3A_2 = arith.muli %add3A, %mul3A_1 : i32
    %dma_start3A = arith.constant 0 : i32
    %dma_start3A_3 = tpu.memref_slice %arg3[%mul3A_2, %dma_start3A] : memref<64x100000xf32, #tpu.memory_space<hbm>> -> memref<1x100000xf32, #tpu.memory_space<hbm>>
    %dma_start3A_4 = tpu.memref_squeeze %dma_start3A_3 : memref<1x100000xf32, #tpu.memory_space<hbm>> -> memref<100000xf32, #tpu.memory_space<hbm>>
    %dma_start3A_5 = arith.constant 0 : i32
    %dma_start3A_6 = tpu.memref_slice %arg3[%mul3A_2, %dma_start3A_5] : memref<64x100000xf32, #tpu.memory_space<hbm>> -> memref<1x100000xf32, #tpu.memory_space<hbm>>
    %dma_start3A_7 = tpu.memref_squeeze %dma_start3A_6 : memref<1x100000xf32, #tpu.memory_space<hbm>> -> memref<100000xf32, #tpu.memory_space<hbm>>
    tpu.enqueue_dma source(%dma_start3A_7 : memref<100000xf32, #tpu.memory_space<hbm>>) target(%arg6 : memref<100000xf32, #tpu.memory_space<vmem>>) target_semaphore(%arg10 : memref<!tpu.dma_semaphore, #tpu.memory_space<semaphore_mem>>)
    "tpu.region"() ({
      %run_scoped3A = tpu.sem_alloc : memref<!tpu.dma_semaphore, #tpu.memory_space<semaphore_mem>>
      tpu.enqueue_dma source(%arg2 : memref<16384xi32, #tpu.memory_space<hbm>>) target(%arg5 : memref<16384xi32, #tpu.memory_space<vmem>>) target_semaphore(%run_scoped3A : memref<!tpu.dma_semaphore, #tpu.memory_space<semaphore_mem>>)
      tpu.wait_dma2 semaphore(%run_scoped3A : memref<!tpu.dma_semaphore, #tpu.memory_space<semaphore_mem>>) src(%arg2 : memref<16384xi32, #tpu.memory_space<hbm>>) dst(%arg5 : memref<16384xi32, #tpu.memory_space<vmem>>)
      tpu.yield
    }) : () -> ()
    %add3A_8 = arith.constant 0 : i32
    %add3A_9 = arith.addi %mul3A_2, %add3A_8 : i32
    %dma_wait3A = arith.constant 0 : i32
    %dma_wait3A_10 = tpu.memref_slice %arg3[%add3A_9, %dma_wait3A] : memref<64x100000xf32, #tpu.memory_space<hbm>> -> memref<1x100000xf32, #tpu.memory_space<hbm>>
    %dma_wait3A_11 = tpu.memref_squeeze %dma_wait3A_10 : memref<1x100000xf32, #tpu.memory_space<hbm>> -> memref<100000xf32, #tpu.memory_space<hbm>>
    %dma_wait3A_12 = arith.constant 0 : i32
    %dma_wait3A_13 = tpu.memref_slice %arg3[%add3A_9, %dma_wait3A_12] : memref<64x100000xf32, #tpu.memory_space<hbm>> -> memref<1x100000xf32, #tpu.memory_space<hbm>>
    %dma_wait3A_14 = tpu.memref_squeeze %dma_wait3A_13 : memref<1x100000xf32, #tpu.memory_space<hbm>> -> memref<100000xf32, #tpu.memory_space<hbm>>
    tpu.wait_dma2 semaphore(%arg10 : memref<!tpu.dma_semaphore, #tpu.memory_space<semaphore_mem>>) src(%dma_wait3A_14 : memref<100000xf32, #tpu.memory_space<hbm>>) dst(%arg6 : memref<100000xf32, #tpu.memory_space<vmem>>)
    %parallel_loop3A = arith.constant 0 : i32
    %parallel_loop3A_15 = arith.constant 4096 : i32
    %parallel_loop3A_16 = arith.constant 16 : i32
    scf.for %parallel_loop3A_158 = %parallel_loop3A to %parallel_loop3A_15 step %parallel_loop3A_16  : i32 {
      %parallel_loop3A_159 = arith.constant 0 : i32
      %parallel_loop3A_160 = arith.addi %parallel_loop3A_159, %parallel_loop3A_158 : i32
      %parallel_loop3A_161 = arith.index_cast %parallel_loop3A_160 : i32 to index
      %parallel_loop3A_162 = tpu.vector_load %arg5[%parallel_loop3A_161] {strides = array<i32>} : memref<16384xi32, #tpu.memory_space<vmem>>, vector<16xi32>,
      %parallel_loop3A_163 = tpu.vector_load_idx %arg6[%parallel_loop3A_162] : memref<100000xf32, #tpu.memory_space<vmem>>[vector<16xi32>], vector<16xf32>,
      %parallel_loop3A_164 = arith.index_cast %parallel_loop3A_158 : i32 to index
      %parallel_loop3A_165 = tpu.vector_load %arg7[%parallel_loop3A_164] {strides = array<i32>} : memref<4096xf32, #tpu.memory_space<vmem>>, vector<16xf32>,
      tpu.vector_store %arg7[%parallel_loop3A_164], %parallel_loop3A_163 {strides = array<i32>} : memref<4096xf32, #tpu.memory_space<vmem>>, vector<16xf32>,
    } {sc.loop_unroll_factor = 4 : i64, sc.parallel_access}
    %dma_start3A_17 = arith.constant 0 : i32
    %dma_start3A_18 = tpu.memref_slice %arg4[%add3A_9, %dma_start3A_17] : memref<64x16384xf32, #tpu.memory_space<hbm>> -> memref<1x4096xf32, #tpu.memory_space<hbm>>
    %dma_start3A_19 = tpu.memref_squeeze %dma_start3A_18 : memref<1x4096xf32, #tpu.memory_space<hbm>> -> memref<4096xf32, #tpu.memory_space<hbm>>
    %dma_start3A_20 = arith.constant 0 : i32
    %dma_start3A_21 = tpu.memref_slice %arg4[%add3A_9, %dma_start3A_20] : memref<64x16384xf32, #tpu.memory_space<hbm>> -> memref<1x4096xf32, #tpu.memory_space<hbm>>
    %dma_start3A_22 = tpu.memref_squeeze %dma_start3A_21 : memref<1x4096xf32, #tpu.memory_space<hbm>> -> memref<4096xf32, #tpu.memory_space<hbm>>
    tpu.enqueue_dma source(%arg7 : memref<4096xf32, #tpu.memory_space<vmem>>) target(%dma_start3A_22 : memref<4096xf32, #tpu.memory_space<hbm>>) target_semaphore(%arg9 : memref<!tpu.dma_semaphore, #tpu.memory_space<semaphore_mem>>)
    %parallel_loop3A_23 = arith.constant 0 : i32
    %parallel_loop3A_24 = arith.constant 4096 : i32
    %parallel_loop3A_25 = arith.constant 16 : i32
    scf.for %parallel_loop3A_158 = %parallel_loop3A_23 to %parallel_loop3A_24 step %parallel_loop3A_25  : i32 {
      %parallel_loop3A_159 = arith.constant 4096 : i32
      %parallel_loop3A_160 = arith.addi %parallel_loop3A_159, %parallel_loop3A_158 : i32
      %parallel_loop3A_161 = arith.index_cast %parallel_loop3A_160 : i32 to index
      %parallel_loop3A_162 = tpu.vector_load %arg5[%parallel_loop3A_161] {strides = array<i32>} : memref<16384xi32, #tpu.memory_space<vmem>>, vector<16xi32>,
      %parallel_loop3A_163 = tpu.vector_load_idx %arg6[%parallel_loop3A_162] : memref<100000xf32, #tpu.memory_space<vmem>>[vector<16xi32>], vector<16xf32>,
      %parallel_loop3A_164 = arith.index_cast %parallel_loop3A_158 : i32 to index
      %parallel_loop3A_165 = tpu.vector_load %arg8[%parallel_loop3A_164] {strides = array<i32>} : memref<4096xf32, #tpu.memory_space<vmem>>, vector<16xf32>,
      tpu.vector_store %arg8[%parallel_loop3A_164], %parallel_loop3A_163 {strides = array<i32>} : memref<4096xf32, #tpu.memory_space<vmem>>, vector<16xf32>,
    } {sc.loop_unroll_factor = 4 : i64, sc.parallel_access}
    %dma_start3A_26 = arith.constant 4096 : i32
    %dma_start3A_27 = tpu.memref_slice %arg4[%add3A_9, %dma_start3A_26] : memref<64x16384xf32, #tpu.memory_space<hbm>> -> memref<1x4096xf32, #tpu.memory_space<hbm>>
    %dma_start3A_28 = tpu.memref_squeeze %dma_start3A_27 : memref<1x4096xf32, #tpu.memory_space<hbm>> -> memref<4096xf32, #tpu.memory_space<hbm>>
    %dma_start3A_29 = arith.constant 4096 : i32
    %dma_start3A_30 = tpu.memref_slice %arg4[%add3A_9, %dma_start3A_29] : memref<64x16384xf32, #tpu.memory_space<hbm>> -> memref<1x4096xf32, #tpu.memory_space<hbm>>
    %dma_start3A_31 = tpu.memref_squeeze %dma_start3A_30 : memref<1x4096xf32, #tpu.memory_space<hbm>> -> memref<4096xf32, #tpu.memory_space<hbm>>
    tpu.enqueue_dma source(%arg8 : memref<4096xf32, #tpu.memory_space<vmem>>) target(%dma_start3A_31 : memref<4096xf32, #tpu.memory_space<hbm>>) target_semaphore(%arg9 : memref<!tpu.dma_semaphore, #tpu.memory_space<semaphore_mem>>)
    %dma_wait3A_32 = arith.constant 0 : i32
    %dma_wait3A_33 = arith.constant 0 : i32
    %dma_wait3A_34 = tpu.memref_slice %arg4[%dma_wait3A_32, %dma_wait3A_33] : memref<64x16384xf32, #tpu.memory_space<hbm>> -> memref<1x4096xf32, #tpu.memory_space<hbm>>
    %dma_wait3A_35 = tpu.memref_squeeze %dma_wait3A_34 : memref<1x4096xf32, #tpu.memory_space<hbm>> -> memref<4096xf32, #tpu.memory_space<hbm>>
    %dma_wait3A_36 = arith.constant 0 : i32
    %dma_wait3A_37 = tpu.memref_slice %arg4[%dma_wait3A_32, %dma_wait3A_36] : memref<64x16384xf32, #tpu.memory_space<hbm>> -> memref<1x4096xf32, #tpu.memory_space<hbm>>
    %dma_wait3A_38 = tpu.memref_squeeze %dma_wait3A_37 : memref<1x4096xf32, #tpu.memory_space<hbm>> -> memref<4096xf32, #tpu.memory_space<hbm>>
    tpu.wait_dma2 semaphore(%arg9 : memref<!tpu.dma_semaphore, #tpu.memory_space<semaphore_mem>>) src(%dma_wait3A_38 : memref<4096xf32, #tpu.memory_space<hbm>>) dst(%arg7 : memref<4096xf32, #tpu.memory_space<vmem>>)
    %parallel_loop3A_39 = arith.constant 0 : i32
    %parallel_loop3A_40 = arith.constant 4096 : i32
    %parallel_loop3A_41 = arith.constant 16 : i32
    scf.for %parallel_loop3A_158 = %parallel_loop3A_39 to %parallel_loop3A_40 step %parallel_loop3A_41  : i32 {
      %parallel_loop3A_159 = arith.constant 8192 : i32
      %parallel_loop3A_160 = arith.addi %parallel_loop3A_159, %parallel_loop3A_158 : i32
      %parallel_loop3A_161 = arith.index_cast %parallel_loop3A_160 : i32 to index
      %parallel_loop3A_162 = tpu.vector_load %arg5[%parallel_loop3A_161] {strides = array<i32>} : memref<16384xi32, #tpu.memory_space<vmem>>, vector<16xi32>,
      %parallel_loop3A_163 = tpu.vector_load_idx %arg6[%parallel_loop3A_162] : memref<100000xf32, #tpu.memory_space<vmem>>[vector<16xi32>], vector<16xf32>,
      %parallel_loop3A_164 = arith.index_cast %parallel_loop3A_158 : i32 to index
      %parallel_loop3A_165 = tpu.vector_load %arg7[%parallel_loop3A_164] {strides = array<i32>} : memref<4096xf32, #tpu.memory_space<vmem>>, vector<16xf32>,
      tpu.vector_store %arg7[%parallel_loop3A_164], %parallel_loop3A_163 {strides = array<i32>} : memref<4096xf32, #tpu.memory_space<vmem>>, vector<16xf32>,
    } {sc.loop_unroll_factor = 4 : i64, sc.parallel_access}
    %dma_start3A_42 = arith.constant 8192 : i32
    %dma_start3A_43 = tpu.memref_slice %arg4[%add3A_9, %dma_start3A_42] : memref<64x16384xf32, #tpu.memory_space<hbm>> -> memref<1x4096xf32, #tpu.memory_space<hbm>>
    %dma_start3A_44 = tpu.memref_squeeze %dma_start3A_43 : memref<1x4096xf32, #tpu.memory_space<hbm>> -> memref<4096xf32, #tpu.memory_space<hbm>>
    %dma_start3A_45 = arith.constant 8192 : i32
    %dma_start3A_46 = tpu.memref_slice %arg4[%add3A_9, %dma_start3A_45] : memref<64x16384xf32, #tpu.memory_space<hbm>> -> memref<1x4096xf32, #tpu.memory_space<hbm>>
    %dma_start3A_47 = tpu.memref_squeeze %dma_start3A_46 : memref<1x4096xf32, #tpu.memory_space<hbm>> -> memref<4096xf32, #tpu.memory_space<hbm>>
    tpu.enqueue_dma source(%arg7 : memref<4096xf32, #tpu.memory_space<vmem>>) target(%dma_start3A_47 : memref<4096xf32, #tpu.memory_space<hbm>>) target_semaphore(%arg9 : memref<!tpu.dma_semaphore, #tpu.memory_space<semaphore_mem>>)
    %dma_wait3A_48 = arith.constant 0 : i32
    %dma_wait3A_49 = arith.constant 0 : i32
    %dma_wait3A_50 = tpu.memref_slice %arg4[%dma_wait3A_48, %dma_wait3A_49] : memref<64x16384xf32, #tpu.memory_space<hbm>> -> memref<1x4096xf32, #tpu.memory_space<hbm>>
    %dma_wait3A_51 = tpu.memref_squeeze %dma_wait3A_50 : memref<1x4096xf32, #tpu.memory_space<hbm>> -> memref<4096xf32, #tpu.memory_space<hbm>>
    %dma_wait3A_52 = arith.constant 0 : i32
    %dma_wait3A_53 = tpu.memref_slice %arg4[%dma_wait3A_48, %dma_wait3A_52] : memref<64x16384xf32, #tpu.memory_space<hbm>> -> memref<1x4096xf32, #tpu.memory_space<hbm>>
    %dma_wait3A_54 = tpu.memref_squeeze %dma_wait3A_53 : memref<1x4096xf32, #tpu.memory_space<hbm>> -> memref<4096xf32, #tpu.memory_space<hbm>>
    tpu.wait_dma2 semaphore(%arg9 : memref<!tpu.dma_semaphore, #tpu.memory_space<semaphore_mem>>) src(%dma_wait3A_54 : memref<4096xf32, #tpu.memory_space<hbm>>) dst(%arg8 : memref<4096xf32, #tpu.memory_space<vmem>>)
    %parallel_loop3A_55 = arith.constant 0 : i32
    %parallel_loop3A_56 = arith.constant 4096 : i32
    %parallel_loop3A_57 = arith.constant 16 : i32
    scf.for %parallel_loop3A_158 = %parallel_loop3A_55 to %parallel_loop3A_56 step %parallel_loop3A_57  : i32 {
      %parallel_loop3A_159 = arith.constant 12288 : i32
      %parallel_loop3A_160 = arith.addi %parallel_loop3A_159, %parallel_loop3A_158 : i32
      %parallel_loop3A_161 = arith.index_cast %parallel_loop3A_160 : i32 to index
      %parallel_loop3A_162 = tpu.vector_load %arg5[%parallel_loop3A_161] {strides = array<i32>} : memref<16384xi32, #tpu.memory_space<vmem>>, vector<16xi32>,
      %parallel_loop3A_163 = tpu.vector_load_idx %arg6[%parallel_loop3A_162] : memref<100000xf32, #tpu.memory_space<vmem>>[vector<16xi32>], vector<16xf32>,
      %parallel_loop3A_164 = arith.index_cast %parallel_loop3A_158 : i32 to index
      %parallel_loop3A_165 = tpu.vector_load %arg8[%parallel_loop3A_164] {strides = array<i32>} : memref<4096xf32, #tpu.memory_space<vmem>>, vector<16xf32>,
      tpu.vector_store %arg8[%parallel_loop3A_164], %parallel_loop3A_163 {strides = array<i32>} : memref<4096xf32, #tpu.memory_space<vmem>>, vector<16xf32>,
    } {sc.loop_unroll_factor = 4 : i64, sc.parallel_access}
    %add3A_58 = arith.constant 1 : i32
    %add3A_59 = arith.addi %add3A_9, %add3A_58 : i32
    %dma_start3A_60 = arith.constant 0 : i32
    %dma_start3A_61 = tpu.memref_slice %arg3[%add3A_59, %dma_start3A_60] : memref<64x100000xf32, #tpu.memory_space<hbm>> -> memref<1x100000xf32, #tpu.memory_space<hbm>>
    %dma_start3A_62 = tpu.memref_squeeze %dma_start3A_61 : memref<1x100000xf32, #tpu.memory_space<hbm>> -> memref<100000xf32, #tpu.memory_space<hbm>>
    %dma_start3A_63 = arith.constant 0 : i32
    %dma_start3A_64 = tpu.memref_slice %arg3[%add3A_59, %dma_start3A_63] : memref<64x100000xf32, #tpu.memory_space<hbm>> -> memref<1x100000xf32, #tpu.memory_space<hbm>>
    %dma_start3A_65 = tpu.memref_squeeze %dma_start3A_64 : memref<1x100000xf32, #tpu.memory_space<hbm>> -> memref<100000xf32, #tpu.memory_space<hbm>>
    tpu.enqueue_dma source(%dma_start3A_65 : memref<100000xf32, #tpu.memory_space<hbm>>) target(%arg6 : memref<100000xf32, #tpu.memory_space<vmem>>) target_semaphore(%arg10 : memref<!tpu.dma_semaphore, #tpu.memory_space<semaphore_mem>>)
    %dma_start3A_66 = arith.constant 12288 : i32
    %dma_start3A_67 = tpu.memref_slice %arg4[%add3A_9, %dma_start3A_66] : memref<64x16384xf32, #tpu.memory_space<hbm>> -> memref<1x4096xf32, #tpu.memory_space<hbm>>
    %dma_start3A_68 = tpu.memref_squeeze %dma_start3A_67 : memref<1x4096xf32, #tpu.memory_space<hbm>> -> memref<4096xf32, #tpu.memory_space<hbm>>
    %dma_start3A_69 = arith.constant 12288 : i32
    %dma_start3A_70 = tpu.memref_slice %arg4[%add3A_9, %dma_start3A_69] : memref<64x16384xf32, #tpu.memory_space<hbm>> -> memref<1x4096xf32, #tpu.memory_space<hbm>>
    %dma_start3A_71 = tpu.memref_squeeze %dma_start3A_70 : memref<1x4096xf32, #tpu.memory_space<hbm>> -> memref<4096xf32, #tpu.memory_space<hbm>>
    tpu.enqueue_dma source(%arg8 : memref<4096xf32, #tpu.memory_space<vmem>>) target(%dma_start3A_71 : memref<4096xf32, #tpu.memory_space<hbm>>) target_semaphore(%arg9 : memref<!tpu.dma_semaphore, #tpu.memory_space<semaphore_mem>>)
    %add3A_72 = arith.constant 1 : i32
    %add3A_73 = arith.addi %mul3A_2, %add3A_72 : i32
    %dma_wait3A_74 = arith.constant 0 : i32
    %dma_wait3A_75 = tpu.memref_slice %arg3[%add3A_73, %dma_wait3A_74] : memref<64x100000xf32, #tpu.memory_space<hbm>> -> memref<1x100000xf32, #tpu.memory_space<hbm>>
    %dma_wait3A_76 = tpu.memref_squeeze %dma_wait3A_75 : memref<1x100000xf32, #tpu.memory_space<hbm>> -> memref<100000xf32, #tpu.memory_space<hbm>>
    %dma_wait3A_77 = arith.constant 0 : i32
    %dma_wait3A_78 = tpu.memref_slice %arg3[%add3A_73, %dma_wait3A_77] : memref<64x100000xf32, #tpu.memory_space<hbm>> -> memref<1x100000xf32, #tpu.memory_space<hbm>>
    %dma_wait3A_79 = tpu.memref_squeeze %dma_wait3A_78 : memref<1x100000xf32, #tpu.memory_space<hbm>> -> memref<100000xf32, #tpu.memory_space<hbm>>
    tpu.wait_dma2 semaphore(%arg10 : memref<!tpu.dma_semaphore, #tpu.memory_space<semaphore_mem>>) src(%dma_wait3A_79 : memref<100000xf32, #tpu.memory_space<hbm>>) dst(%arg6 : memref<100000xf32, #tpu.memory_space<vmem>>)
    %dma_wait3A_80 = arith.constant 0 : i32
    %dma_wait3A_81 = arith.constant 0 : i32
    %dma_wait3A_82 = tpu.memref_slice %arg4[%dma_wait3A_80, %dma_wait3A_81] : memref<64x16384xf32, #tpu.memory_space<hbm>> -> memref<1x4096xf32, #tpu.memory_space<hbm>>
    %dma_wait3A_83 = tpu.memref_squeeze %dma_wait3A_82 : memref<1x4096xf32, #tpu.memory_space<hbm>> -> memref<4096xf32, #tpu.memory_space<hbm>>
    %dma_wait3A_84 = arith.constant 0 : i32
    %dma_wait3A_85 = tpu.memref_slice %arg4[%dma_wait3A_80, %dma_wait3A_84] : memref<64x16384xf32, #tpu.memory_space<hbm>> -> memref<1x4096xf32, #tpu.memory_space<hbm>>
    %dma_wait3A_86 = tpu.memref_squeeze %dma_wait3A_85 : memref<1x4096xf32, #tpu.memory_space<hbm>> -> memref<4096xf32, #tpu.memory_space<hbm>>
    tpu.wait_dma2 semaphore(%arg9 : memref<!tpu.dma_semaphore, #tpu.memory_space<semaphore_mem>>) src(%dma_wait3A_86 : memref<4096xf32, #tpu.memory_space<hbm>>) dst(%arg7 : memref<4096xf32, #tpu.memory_space<vmem>>)
    %parallel_loop3A_87 = arith.constant 0 : i32
    %parallel_loop3A_88 = arith.constant 4096 : i32
    %parallel_loop3A_89 = arith.constant 16 : i32
    scf.for %parallel_loop3A_158 = %parallel_loop3A_87 to %parallel_loop3A_88 step %parallel_loop3A_89  : i32 {
      %parallel_loop3A_159 = arith.constant 0 : i32
      %parallel_loop3A_160 = arith.addi %parallel_loop3A_159, %parallel_loop3A_158 : i32
      %parallel_loop3A_161 = arith.index_cast %parallel_loop3A_160 : i32 to index
      %parallel_loop3A_162 = tpu.vector_load %arg5[%parallel_loop3A_161] {strides = array<i32>} : memref<16384xi32, #tpu.memory_space<vmem>>, vector<16xi32>,
      %parallel_loop3A_163 = tpu.vector_load_idx %arg6[%parallel_loop3A_162] : memref<100000xf32, #tpu.memory_space<vmem>>[vector<16xi32>], vector<16xf32>,
      %parallel_loop3A_164 = arith.index_cast %parallel_loop3A_158 : i32 to index
      %parallel_loop3A_165 = tpu.vector_load %arg7[%parallel_loop3A_164] {strides = array<i32>} : memref<4096xf32, #tpu.memory_space<vmem>>, vector<16xf32>,
      tpu.vector_store %arg7[%parallel_loop3A_164], %parallel_loop3A_163 {strides = array<i32>} : memref<4096xf32, #tpu.memory_space<vmem>>, vector<16xf32>,
    } {sc.loop_unroll_factor = 4 : i64, sc.parallel_access}
    %dma_start3A_90 = arith.constant 0 : i32
    %dma_start3A_91 = tpu.memref_slice %arg4[%add3A_73, %dma_start3A_90] : memref<64x16384xf32, #tpu.memory_space<hbm>> -> memref<1x4096xf32, #tpu.memory_space<hbm>>
    %dma_start3A_92 = tpu.memref_squeeze %dma_start3A_91 : memref<1x4096xf32, #tpu.memory_space<hbm>> -> memref<4096xf32, #tpu.memory_space<hbm>>
    %dma_start3A_93 = arith.constant 0 : i32
    %dma_start3A_94 = tpu.memref_slice %arg4[%add3A_73, %dma_start3A_93] : memref<64x16384xf32, #tpu.memory_space<hbm>> -> memref<1x4096xf32, #tpu.memory_space<hbm>>
    %dma_start3A_95 = tpu.memref_squeeze %dma_start3A_94 : memref<1x4096xf32, #tpu.memory_space<hbm>> -> memref<4096xf32, #tpu.memory_space<hbm>>
    tpu.enqueue_dma source(%arg7 : memref<4096xf32, #tpu.memory_space<vmem>>) target(%dma_start3A_95 : memref<4096xf32, #tpu.memory_space<hbm>>) target_semaphore(%arg9 : memref<!tpu.dma_semaphore, #tpu.memory_space<semaphore_mem>>)
    %dma_wait3A_96 = arith.constant 0 : i32
    %dma_wait3A_97 = arith.constant 0 : i32
    %dma_wait3A_98 = tpu.memref_slice %arg4[%dma_wait3A_96, %dma_wait3A_97] : memref<64x16384xf32, #tpu.memory_space<hbm>> -> memref<1x4096xf32, #tpu.memory_space<hbm>>
    %dma_wait3A_99 = tpu.memref_squeeze %dma_wait3A_98 : memref<1x4096xf32, #tpu.memory_space<hbm>> -> memref<4096xf32, #tpu.memory_space<hbm>>
    %dma_wait3A_100 = arith.constant 0 : i32
    %dma_wait3A_101 = tpu.memref_slice %arg4[%dma_wait3A_96, %dma_wait3A_100] : memref<64x16384xf32, #tpu.memory_space<hbm>> -> memref<1x4096xf32, #tpu.memory_space<hbm>>
    %dma_wait3A_102 = tpu.memref_squeeze %dma_wait3A_101 : memref<1x4096xf32, #tpu.memory_space<hbm>> -> memref<4096xf32, #tpu.memory_space<hbm>>
    tpu.wait_dma2 semaphore(%arg9 : memref<!tpu.dma_semaphore, #tpu.memory_space<semaphore_mem>>) src(%dma_wait3A_102 : memref<4096xf32, #tpu.memory_space<hbm>>) dst(%arg8 : memref<4096xf32, #tpu.memory_space<vmem>>)
    %parallel_loop3A_103 = arith.constant 0 : i32
    %parallel_loop3A_104 = arith.constant 4096 : i32
    %parallel_loop3A_105 = arith.constant 16 : i32
    scf.for %parallel_loop3A_158 = %parallel_loop3A_103 to %parallel_loop3A_104 step %parallel_loop3A_105  : i32 {
      %parallel_loop3A_159 = arith.constant 4096 : i32
      %parallel_loop3A_160 = arith.addi %parallel_loop3A_159, %parallel_loop3A_158 : i32
      %parallel_loop3A_161 = arith.index_cast %parallel_loop3A_160 : i32 to index
      %parallel_loop3A_162 = tpu.vector_load %arg5[%parallel_loop3A_161] {strides = array<i32>} : memref<16384xi32, #tpu.memory_space<vmem>>, vector<16xi32>,
      %parallel_loop3A_163 = tpu.vector_load_idx %arg6[%parallel_loop3A_162] : memref<100000xf32, #tpu.memory_space<vmem>>[vector<16xi32>], vector<16xf32>,
      %parallel_loop3A_164 = arith.index_cast %parallel_loop3A_158 : i32 to index
      %parallel_loop3A_165 = tpu.vector_load %arg8[%parallel_loop3A_164] {strides = array<i32>} : memref<4096xf32, #tpu.memory_space<vmem>>, vector<16xf32>,
      tpu.vector_store %arg8[%parallel_loop3A_164], %parallel_loop3A_163 {strides = array<i32>} : memref<4096xf32, #tpu.memory_space<vmem>>, vector<16xf32>,
    } {sc.loop_unroll_factor = 4 : i64, sc.parallel_access}
    %dma_start3A_106 = arith.constant 4096 : i32
    %dma_start3A_107 = tpu.memref_slice %arg4[%add3A_73, %dma_start3A_106] : memref<64x16384xf32, #tpu.memory_space<hbm>> -> memref<1x4096xf32, #tpu.memory_space<hbm>>
    %dma_start3A_108 = tpu.memref_squeeze %dma_start3A_107 : memref<1x4096xf32, #tpu.memory_space<hbm>> -> memref<4096xf32, #tpu.memory_space<hbm>>
    %dma_start3A_109 = arith.constant 4096 : i32
    %dma_start3A_110 = tpu.memref_slice %arg4[%add3A_73, %dma_start3A_109] : memref<64x16384xf32, #tpu.memory_space<hbm>> -> memref<1x4096xf32, #tpu.memory_space<hbm>>
    %dma_start3A_111 = tpu.memref_squeeze %dma_start3A_110 : memref<1x4096xf32, #tpu.memory_space<hbm>> -> memref<4096xf32, #tpu.memory_space<hbm>>
    tpu.enqueue_dma source(%arg8 : memref<4096xf32, #tpu.memory_space<vmem>>) target(%dma_start3A_111 : memref<4096xf32, #tpu.memory_space<hbm>>) target_semaphore(%arg9 : memref<!tpu.dma_semaphore, #tpu.memory_space<semaphore_mem>>)
    %dma_wait3A_112 = arith.constant 0 : i32
    %dma_wait3A_113 = arith.constant 0 : i32
    %dma_wait3A_114 = tpu.memref_slice %arg4[%dma_wait3A_112, %dma_wait3A_113] : memref<64x16384xf32, #tpu.memory_space<hbm>> -> memref<1x4096xf32, #tpu.memory_space<hbm>>
    %dma_wait3A_115 = tpu.memref_squeeze %dma_wait3A_114 : memref<1x4096xf32, #tpu.memory_space<hbm>> -> memref<4096xf32, #tpu.memory_space<hbm>>
    %dma_wait3A_116 = arith.constant 0 : i32
    %dma_wait3A_117 = tpu.memref_slice %arg4[%dma_wait3A_112, %dma_wait3A_116] : memref<64x16384xf32, #tpu.memory_space<hbm>> -> memref<1x4096xf32, #tpu.memory_space<hbm>>
    %dma_wait3A_118 = tpu.memref_squeeze %dma_wait3A_117 : memref<1x4096xf32, #tpu.memory_space<hbm>> -> memref<4096xf32, #tpu.memory_space<hbm>>
    tpu.wait_dma2 semaphore(%arg9 : memref<!tpu.dma_semaphore, #tpu.memory_space<semaphore_mem>>) src(%dma_wait3A_118 : memref<4096xf32, #tpu.memory_space<hbm>>) dst(%arg7 : memref<4096xf32, #tpu.memory_space<vmem>>)
    %parallel_loop3A_119 = arith.constant 0 : i32
    %parallel_loop3A_120 = arith.constant 4096 : i32
    %parallel_loop3A_121 = arith.constant 16 : i32
    scf.for %parallel_loop3A_158 = %parallel_loop3A_119 to %parallel_loop3A_120 step %parallel_loop3A_121  : i32 {
      %parallel_loop3A_159 = arith.constant 8192 : i32
      %parallel_loop3A_160 = arith.addi %parallel_loop3A_159, %parallel_loop3A_158 : i32
      %parallel_loop3A_161 = arith.index_cast %parallel_loop3A_160 : i32 to index
      %parallel_loop3A_162 = tpu.vector_load %arg5[%parallel_loop3A_161] {strides = array<i32>} : memref<16384xi32, #tpu.memory_space<vmem>>, vector<16xi32>,
      %parallel_loop3A_163 = tpu.vector_load_idx %arg6[%parallel_loop3A_162] : memref<100000xf32, #tpu.memory_space<vmem>>[vector<16xi32>], vector<16xf32>,
      %parallel_loop3A_164 = arith.index_cast %parallel_loop3A_158 : i32 to index
      %parallel_loop3A_165 = tpu.vector_load %arg7[%parallel_loop3A_164] {strides = array<i32>} : memref<4096xf32, #tpu.memory_space<vmem>>, vector<16xf32>,
      tpu.vector_store %arg7[%parallel_loop3A_164], %parallel_loop3A_163 {strides = array<i32>} : memref<4096xf32, #tpu.memory_space<vmem>>, vector<16xf32>,
    } {sc.loop_unroll_factor = 4 : i64, sc.parallel_access}
    %dma_start3A_122 = arith.constant 8192 : i32
    %dma_start3A_123 = tpu.memref_slice %arg4[%add3A_73, %dma_start3A_122] : memref<64x16384xf32, #tpu.memory_space<hbm>> -> memref<1x4096xf32, #tpu.memory_space<hbm>>
    %dma_start3A_124 = tpu.memref_squeeze %dma_start3A_123 : memref<1x4096xf32, #tpu.memory_space<hbm>> -> memref<4096xf32, #tpu.memory_space<hbm>>
    %dma_start3A_125 = arith.constant 8192 : i32
    %dma_start3A_126 = tpu.memref_slice %arg4[%add3A_73, %dma_start3A_125] : memref<64x16384xf32, #tpu.memory_space<hbm>> -> memref<1x4096xf32, #tpu.memory_space<hbm>>
    %dma_start3A_127 = tpu.memref_squeeze %dma_start3A_126 : memref<1x4096xf32, #tpu.memory_space<hbm>> -> memref<4096xf32, #tpu.memory_space<hbm>>
    tpu.enqueue_dma source(%arg7 : memref<4096xf32, #tpu.memory_space<vmem>>) target(%dma_start3A_127 : memref<4096xf32, #tpu.memory_space<hbm>>) target_semaphore(%arg9 : memref<!tpu.dma_semaphore, #tpu.memory_space<semaphore_mem>>)
    %dma_wait3A_128 = arith.constant 0 : i32
    %dma_wait3A_129 = arith.constant 0 : i32
    %dma_wait3A_130 = tpu.memref_slice %arg4[%dma_wait3A_128, %dma_wait3A_129] : memref<64x16384xf32, #tpu.memory_space<hbm>> -> memref<1x4096xf32, #tpu.memory_space<hbm>>
    %dma_wait3A_131 = tpu.memref_squeeze %dma_wait3A_130 : memref<1x4096xf32, #tpu.memory_space<hbm>> -> memref<4096xf32, #tpu.memory_space<hbm>>
    %dma_wait3A_132 = arith.constant 0 : i32
    %dma_wait3A_133 = tpu.memref_slice %arg4[%dma_wait3A_128, %dma_wait3A_132] : memref<64x16384xf32, #tpu.memory_space<hbm>> -> memref<1x4096xf32, #tpu.memory_space<hbm>>
    %dma_wait3A_134 = tpu.memref_squeeze %dma_wait3A_133 : memref<1x4096xf32, #tpu.memory_space<hbm>> -> memref<4096xf32, #tpu.memory_space<hbm>>
    tpu.wait_dma2 semaphore(%arg9 : memref<!tpu.dma_semaphore, #tpu.memory_space<semaphore_mem>>) src(%dma_wait3A_134 : memref<4096xf32, #tpu.memory_space<hbm>>) dst(%arg8 : memref<4096xf32, #tpu.memory_space<vmem>>)
    %parallel_loop3A_135 = arith.constant 0 : i32
    %parallel_loop3A_136 = arith.constant 4096 : i32
    %parallel_loop3A_137 = arith.constant 16 : i32
    scf.for %parallel_loop3A_158 = %parallel_loop3A_135 to %parallel_loop3A_136 step %parallel_loop3A_137  : i32 {
      %parallel_loop3A_159 = arith.constant 12288 : i32
      %parallel_loop3A_160 = arith.addi %parallel_loop3A_159, %parallel_loop3A_158 : i32
      %parallel_loop3A_161 = arith.index_cast %parallel_loop3A_160 : i32 to index
      %parallel_loop3A_162 = tpu.vector_load %arg5[%parallel_loop3A_161] {strides = array<i32>} : memref<16384xi32, #tpu.memory_space<vmem>>, vector<16xi32>,
      %parallel_loop3A_163 = tpu.vector_load_idx %arg6[%parallel_loop3A_162] : memref<100000xf32, #tpu.memory_space<vmem>>[vector<16xi32>], vector<16xf32>,
      %parallel_loop3A_164 = arith.index_cast %parallel_loop3A_158 : i32 to index
      %parallel_loop3A_165 = tpu.vector_load %arg8[%parallel_loop3A_164] {strides = array<i32>} : memref<4096xf32, #tpu.memory_space<vmem>>, vector<16xf32>,
      tpu.vector_store %arg8[%parallel_loop3A_164], %parallel_loop3A_163 {strides = array<i32>} : memref<4096xf32, #tpu.memory_space<vmem>>, vector<16xf32>,
    } {sc.loop_unroll_factor = 4 : i64, sc.parallel_access}
    %dma_start3A_138 = arith.constant 12288 : i32
    %dma_start3A_139 = tpu.memref_slice %arg4[%add3A_73, %dma_start3A_138] : memref<64x16384xf32, #tpu.memory_space<hbm>> -> memref<1x4096xf32, #tpu.memory_space<hbm>>
    %dma_start3A_140 = tpu.memref_squeeze %dma_start3A_139 : memref<1x4096xf32, #tpu.memory_space<hbm>> -> memref<4096xf32, #tpu.memory_space<hbm>>
    %dma_start3A_141 = arith.constant 12288 : i32
    %dma_start3A_142 = tpu.memref_slice %arg4[%add3A_73, %dma_start3A_141] : memref<64x16384xf32, #tpu.memory_space<hbm>> -> memref<1x4096xf32, #tpu.memory_space<hbm>>
    %dma_start3A_143 = tpu.memref_squeeze %dma_start3A_142 : memref<1x4096xf32, #tpu.memory_space<hbm>> -> memref<4096xf32, #tpu.memory_space<hbm>>
    tpu.enqueue_dma source(%arg8 : memref<4096xf32, #tpu.memory_space<vmem>>) target(%dma_start3A_143 : memref<4096xf32, #tpu.memory_space<hbm>>) target_semaphore(%arg9 : memref<!tpu.dma_semaphore, #tpu.memory_space<semaphore_mem>>)
    %dma_wait3A_144 = arith.constant 0 : i32
    %dma_wait3A_145 = arith.constant 0 : i32
    %dma_wait3A_146 = tpu.memref_slice %arg4[%dma_wait3A_144, %dma_wait3A_145] : memref<64x16384xf32, #tpu.memory_space<hbm>> -> memref<1x4096xf32, #tpu.memory_space<hbm>>
    %dma_wait3A_147 = tpu.memref_squeeze %dma_wait3A_146 : memref<1x4096xf32, #tpu.memory_space<hbm>> -> memref<4096xf32, #tpu.memory_space<hbm>>
    %dma_wait3A_148 = arith.constant 0 : i32
    %dma_wait3A_149 = tpu.memref_slice %arg4[%dma_wait3A_144, %dma_wait3A_148] : memref<64x16384xf32, #tpu.memory_space<hbm>> -> memref<1x4096xf32, #tpu.memory_space<hbm>>
    %dma_wait3A_150 = tpu.memref_squeeze %dma_wait3A_149 : memref<1x4096xf32, #tpu.memory_space<hbm>> -> memref<4096xf32, #tpu.memory_space<hbm>>
    tpu.wait_dma2 semaphore(%arg9 : memref<!tpu.dma_semaphore, #tpu.memory_space<semaphore_mem>>) src(%dma_wait3A_150 : memref<4096xf32, #tpu.memory_space<hbm>>) dst(%arg7 : memref<4096xf32, #tpu.memory_space<vmem>>)
    %dma_wait3A_151 = arith.constant 0 : i32
    %dma_wait3A_152 = arith.constant 0 : i32
    %dma_wait3A_153 = tpu.memref_slice %arg4[%dma_wait3A_151, %dma_wait3A_152] : memref<64x16384xf32, #tpu.memory_space<hbm>> -> memref<1x4096xf32, #tpu.memory_space<hbm>>
    %dma_wait3A_154 = tpu.memref_squeeze %dma_wait3A_153 : memref<1x4096xf32, #tpu.memory_space<hbm>> -> memref<4096xf32, #tpu.memory_space<hbm>>
    %dma_wait3A_155 = arith.constant 0 : i32
    %dma_wait3A_156 = tpu.memref_slice %arg4[%dma_wait3A_151, %dma_wait3A_155] : memref<64x16384xf32, #tpu.memory_space<hbm>> -> memref<1x4096xf32, #tpu.memory_space<hbm>>
    %dma_wait3A_157 = tpu.memref_squeeze %dma_wait3A_156 : memref<1x4096xf32, #tpu.memory_space<hbm>> -> memref<4096xf32, #tpu.memory_space<hbm>>
    tpu.wait_dma2 semaphore(%arg9 : memref<!tpu.dma_semaphore, #tpu.memory_space<semaphore_mem>>) src(%dma_wait3A_157 : memref<4096xf32, #tpu.memory_space<hbm>>) dst(%arg7 : memref<4096xf32, #tpu.memory_space<vmem>>)
    return
  }
}

</mosaic_0001>

<sc_bundles>
// kernel: kernel.3.cloned.1.call-start
scs
__scs_entry_jumppad:
0x0: {  	(pc) =	sbr.rel $0x88, $3  }
0x1: {  	(tag) =	ssettag $0x0;
	lr =	simm.s32 $0x1  }
0x2: {  	[smem:$0x3F9F] =	sst lr;
	_ =	strace $0xD0000000  }
0x3: {  	_ = 	snop  }
0x4: {  	_ = 	snop  }
0x5: {  	_ = 	snop  }
0x6: {  	_ = 	snop  }
0x7: {  	_ = 	snop  }
__scs_overlays_trampoline_lowered:
0x8: {  	[smem:$0x3FAE] =	sst s0  }
0x9: {  	[smem:$0x3FAF] =	sst s1  }
0xa: {  	[smem:$0x3FB0] =	sst s2  }
0xb: {  	[smem:$0x3FB1] =	sst s3  }
0xc: {  	[smem:$0x3FB2] =	sst s4  }
0xd: {  	[smem:$0x3FB3] =	sst s5  }
0xe: {  	[smem:$0x3FB4] =	sst s6  }
0xf: {  	[smem:$0x3FB5] =	sst s7  }
0x10: {  	[smem:$0x3FB6] =	sst s8  }
0x11: {  	[smem:$0x3FB7] =	sst s9;
	s0 =	simm.s32 @!p0 $0x0  }
0x12: {  	s1 =	sld [smem:$0x3F9D];
	s0 =	simm.s32 @p0 $0x1  }
0x13: {  	[smem:$0x3FB8] =	sst s0;
	s0 =	simm.s32 @!p1 $0x0  }
0x14: {  	s2 =	sld [smem:$0x3F9C];
	s0 =	simm.s32 @p1 $0x1  }
0x15: {  	[smem:$0x3FB9] =	sst s0;
	s0 =	simm.s32 @!p2 $0x0  }
0x16: {  	s3 =	sld [smem:$0x3FDB];
	s0 =	simm.s32 @p2 $0x1  }
0x17: {  	s4 =	simm.s32 $0x1BF5;
	[smem:$0x3FBB] =	sst s0  }
0x18: {  	s0 =	sld [smem:$0x3F9E];
	_ =	swait.ge [sflag:s4], $0x0  }
0x19: {  	s7 =	sld [smem:$0x3F9F]  }
0x1a: {  	s8 =	sadd.s32 $0xFFFFE003, lr  }
0x1b: {  	s9 =	sadd.s32 $0xFFFFFEF7, lr;
	s5 =	simm.s32 $0xFFFFFFFF;
	p2 =	slt.u32 s8, $0xFFFFF086  }
0x1c: {  	p1 =	slt.u32 s9, $0xF7A;
	s5 =	simm.s32 @!p2 $0x0  }
0x1d: {  	s5 =	simm.s32 @p1 $0x1;
	p0 =	seq.s32 s7, s2  }
0x1e: {  	s7 =	smul.u32 @!p0 $0xF7A, s2;
	p2 =	seq.s32 @!p0 s5, $0x0  }
0x1f: {  	s9 =	smul.u32 $0xF7A, s1;
	s8 =	simm.s32 @!p0 $0x1BF5;
	p2 =	por !p2, p0  }
0x20: {  	[sflag:s8] =	ssyncset.s32 @!p0 $0xFFFFF086;
	s6 =	sadd.s32 @!p0 s3, s7;
	s7 =	simm.s32 @!p0 $0x108  }
0x21: {  	s3 =	sadd.s32 s3, s9;
	s6 =	sadd.s32 @!p0 $0x88, s6;
	s7 =	simm.s32 @p2 $0x1082  }
0x22: {  	[simem:s7], [sflag:s8] =	dma.local @!p0 [hbm:s6], $0xF7A  }
0x23: {  	s9 =	sor.u32 $0xD0000000, s2;
	s6 =	simm.s32 $0x108;
	_ =	swait.ge @!p0 [sflag:s8], $0x0  }
0x24: {  	s3 =	sadd.s32 $0x88, s3;
	s6 =	simm.s32 @!p1 $0x1082;
	[sflag:s4] =	ssyncset.s32 $0xFFFFF086  }
0x25: {  	[simem:s6], [sflag:s4] =	dma.local [hbm:s3], $0xF7A  }
0x26: {  	[smem:$0x3F9F] =	sst s1;
	(tag) =	ssettag s2;
	_ =	strace s9  }
0x27: {  	s1 =	sld [smem:$0x3FAF]  }
0x28: {  	s2 =	sld [smem:$0x3FB0]  }
0x29: {  	s4 =	sld [smem:$0x3FB2]  }
0x2a: {  	p0 =	seq.s32 s5, $0x0;
	s5 =	sld [smem:$0x3FB3]  }
0x2b: {  	s6 =	sld [smem:$0x3FB4]  }
0x2c: {  	s7 =	sld [smem:$0x3FB5]  }
0x2d: {  	s3 =	simm.s32 $0x108;
	s8 =	sld [smem:$0x3FB6]  }
0x2e: {  	s3 =	simm.s32 @!p0 $0x1082;
	s9 =	sld [smem:$0x3FB7]  }
0x2f: {  	lr =	sadd.s32 s0, s3;
	s0 =	sld [smem:$0x3FAE]  }
0x30: {  	s3 =	sld [smem:$0x3FB1]  }
0x31: {  	[smem:$0x3FBA] =	sst s10  }
0x32: {  	s10 =	sld [smem:$0x3FB8];
	_ =	sdelay $0x3  }
0x33: {  	p0 =	seq.s32 s10, $0x1;
	s10 =	sld [smem:$0x3FBA];
	_ =	sdelay $0x3  }
0x34: {  	[smem:$0x3FBA] =	sst s10  }
0x35: {  	s10 =	sld [smem:$0x3FB9];
	_ =	sdelay $0x3  }
0x36: {  	p1 =	seq.s32 s10, $0x1;
	s10 =	sld [smem:$0x3FBA];
	_ =	sdelay $0x3  }
0x37: {  	[smem:$0x3FBA] =	sst s10  }
0x38: {  	s10 =	sld [smem:$0x3FBB]  }
0x39: {  	_ = 	snop;
	(pc) =	sbr.ind lr, $3  }
0x3a: {  	_ = 	snop  }
0x3b: {  	_ = 	snop  }
0x3c: {  	p2 =	seq.s32 s10, $0x1;
	s10 =	sld [smem:$0x3FBA]  }
0x3d: {  	_ =	shalt  }
0x3e: {  	_ =	shalt  }
0x3f: {  	_ =	shalt  }
0x40: {  	_ =	shalt  }
0x41: {  	_ =	shalt  }
0x42: {  	_ =	shalt  }
0x43: {  	_ =	shalt  }
0x44: {  	_ =	shalt  }
0x45: {  	_ =	shalt  }
0x46: {  	_ =	shalt  }
0x47: {  	_ =	shalt  }
0x48: {  	_ =	shalt  }
0x49: {  	_ =	shalt  }
0x4a: {  	_ =	shalt  }
0x4b: {  	_ =	shalt  }
0x4c: {  	_ =	shalt  }
0x4d: {  	_ =	shalt  }
0x4e: {  	_ =	shalt  }
0x4f: {  	_ =	shalt  }
0x50: {  	_ =	shalt  }
0x51: {  	_ =	shalt  }
0x52: {  	_ =	shalt  }
0x53: {  	_ =	shalt  }
0x54: {  	_ =	shalt  }
0x55: {  	_ =	shalt  }
0x56: {  	_ =	shalt  }
0x57: {  	_ =	shalt  }
0x58: {  	_ =	shalt  }
0x59: {  	_ =	shalt  }
0x5a: {  	_ =	shalt  }
0x5b: {  	_ =	shalt  }
0x5c: {  	_ =	shalt  }
0x5d: {  	_ =	shalt  }
0x5e: {  	_ =	shalt  }
0x5f: {  	_ =	shalt  }
0x60: {  	_ =	shalt  }
0x61: {  	_ =	shalt  }
0x62: {  	_ =	shalt  }
0x63: {  	_ =	shalt  }
0x64: {  	_ =	shalt  }
0x65: {  	_ =	shalt  }
0x66: {  	_ =	shalt  }
0x67: {  	_ =	shalt  }
0x68: {  	_ =	shalt  }
0x69: {  	_ =	shalt  }
0x6a: {  	_ =	shalt  }
0x6b: {  	_ =	shalt  }
0x6c: {  	_ =	shalt  }
0x6d: {  	_ =	shalt  }
0x6e: {  	_ =	shalt  }
0x6f: {  	_ =	shalt  }
0x70: {  	_ =	shalt  }
0x71: {  	_ =	shalt  }
0x72: {  	_ =	shalt  }
0x73: {  	_ =	shalt  }
0x74: {  	_ =	shalt  }
0x75: {  	_ =	shalt  }
0x76: {  	_ =	shalt  }
0x77: {  	_ =	shalt  }
0x78: {  	_ =	shalt  }
0x79: {  	_ =	shalt  }
0x7a: {  	_ =	shalt  }
0x7b: {  	_ =	shalt  }
0x7c: {  	_ =	shalt  }
0x7d: {  	_ =	shalt  }
0x7e: {  	_ =	shalt  }
0x7f: {  	_ =	shalt  }
0x80: {  	_ =	shalt  }
0x81: {  	_ =	shalt  }
0x82: {  	_ =	shalt  }
0x83: {  	_ =	shalt  }
0x84: {  	_ =	shalt  }
0x85: {  	_ =	shalt  }
0x86: {  	_ =	shalt  }
0x87: {  	_ =	shalt  }
.Lfunc_end0:
.L_simem_size_0:
called_computation_lowered:
.L_overlay_start_0:
0x88: {  	s2 =	sld [smem:$0x3FD9]  }
0x89: {  	s3 =	sld [smem:$0x3FFE];
	_ =	sdelay $0x1  }
0x8a: {  	s1 =	srdreg.scid  }
0x8b: {  	s0 =	sand.u32 $0x1, s1  }
0x8c: {  	s18 =	sshll.u32 s0, $0xA;
	s2 =	sadd.s32 s3, s2  }
0x8d: {  	s2 =	sadd.s32 s2, s18  }
0x8e: {  	[smem:$0x3FC6] =	sst s2  }
0x8f: {  	_ = 	snop  }
0x90: {  	s2 =	sld [smem:$0x3FC9]  }
0x91: {  	s19 =	sld [smem:$0x3FC8]  }
0x92: {  	s4 =	sld [smem:$0x3FD0];
	(tm) =	ssettm $0x1  }
0x93: {  	s5 =	sld [smem:$0x3FFB];
	_ =	sdelay $0x3  }
0x94: {  	_ =	strace s5  }
0x95: {  	s5 =	sld [smem:$0x3FFC];
	_ =	sdelay $0x3  }
0x96: {  	_ =	strace s5  }
0x97: {  	s5 =	sld [smem:$0x3FFD];
	_ =	sdelay $0x3  }
0x98: {  	_ =	strace s5  }
0x99: {  	_ =	strace $0x8FFFFFFF  }
0x9a: {  	s20 =	sld [smem:$0x3FDB];
	_ =	sdelay $0x1  }
0x9b: {  	s6 =	simm.s32 $_scs_section_size  }
0x9c: {  	s7 =	simm.s32 $_size__tile_overlayer_lowered;
	s8 =	simm.s32 $_tile_overlayer_lowered  }
0x9d: {  	s23 =	simm.s32 $0x1BFF;
	s22 =	sshll.u32 s8, $0x1;
	s5 =	sadd.s32 s6, s20  }
0x9e: {  	s9 =	simm.s32 $0x0;
	s21 =	sshll.u32 s7, $0x1;
	s7 =	sadd.s32 s22, s5  }
0x9f: {  	[timem:s9], [sflag:s23] =	dma.local [hbm:s7], s21  }
0xa0: {  	_ =	swait.ge [sflag:s23], s21  }
0xa1: {  	s6 =	ssub.s32 $0x0, s21;
	[sflag:s23] =	ssyncset.done $0x0  }
0xa2: {  	[sflag:s23] =	ssyncadd.s32 s6;
	_ =	sdelay $0x1  }
0xa3: {  	s24 =	simm.s32 $0x1B8B  }
0xa4: {  	_ =	swait.ge [sflag:s24], $0x1  }
0xa5: {  	[sflag:s24] =	ssyncset.done $0x0  }
0xa6: {  	s25 =	simm.s32 $0x1B8E;
	[sflag:s24] =	ssyncadd.s32 $0xFFFFFFFF  }
0xa7: {  	s26 =	simm.s32 $execute0_lowered;
	[smem:$0x3FD2] =	sst s25  }
0xa8: {  	s6 =	sshll.u32 s26, $0x1;
	_ =	strace $0x80000046;
	[dreg:$0x1] =	wrdreg $0xFFFFFFFF  }
0xa9: {  	s28 =	simm.s32 $_size_execute0_lowered;
	s5 =	sadd.s32 s5, s6;
	[dreg:$0x0] =	wrdreg $0x0  }
0xaa: {  	s6 =	sshll.u32 s28, $0x1;
	[dreg:$0x2] =	wrdreg s5  }
0xab: {  	[dreg:$0x3] =	wrdreg s6  }
0xac: {  	[dreg:$0x4] =	wrdreg $0xC0  }
0xad: {  	_ =	task [dreg:s9], $0x5FFFF  }
0xae: {  	[dreg:$0x1] =	wrdreg $0xFFFFFFFF  }
0xaf: {  	[dreg:$0x0] =	wrdreg $0x60  }
0xb0: {  	[dreg:$0x2] =	wrdreg s2  }
0xb1: {  	[dreg:$0x3] =	wrdreg s19  }
0xb2: {  	[dreg:$0x4] =	wrdreg s4  }
0xb3: {  	[dreg:$0x5] =	wrdreg $0x9  }
0xb4: {  	_ =	task.clear_ibuf [dreg:s9], $0x6FFFF;
	_ =	strace $0x90000046  }
0xb5: {  	s29 =	simm.s32 $0x9;
	_ =	strace $0x80000048  }
0xb6: {  	_ =	swait.ge [sflag:s29], $0x1  }
0xb7: {  	[sflag:s29] =	ssyncadd.s32 $0xFFFFFFFF  }
0xb8: {  	_ =	strace $0x90000048  }
0xb9: {  	_ =	sfence  }
0xba: {  	s30 =	sld [smem:$0x0];
	_ =	sdelay $0x2  }
0xbb: {  	s31 =	sshll.u32 s1, $0xD;
	s1 =	sshrl.u32 s1, $0x2  }
0xbc: {  	s3 =	sand.u32 $0x4000, s31;
	s1 =	sadd.s32 s1, s30  }
0xbd: {  	s0 =	sor.u32 s3, s0;
	s1 =	sshll.u32 s1, $0x11  }
0xbe: {  	s0 =	sor.u32 s1, s0  }
0xbf: {  	s0 =	sadd.s32 $0x8F2B, s0  }
0xc0: {  	[sflag:s0] =	ssyncadd.remote.s32 $0x1  }
0xc1: {  	_ =	sfence.sel $0xFFFF  }
0xc2: {  	[dreg:$0x0] =	wrdreg $0xFFFFFFFF;
	(pc) =	sbr.abs _section_cstart, $3  }
0xc3: {  	[dreg:$0x1] =	wrdreg $0xFFFFFFFF  }
0xc4: {  	_ =	task.clear_ibuf [dreg:s9], $0x2FFFF;
	_ =	strace $0x9FFFFFFF  }
0xc5: {  	(tm) =	ssettm $0x7FFFFFFF  }
tec
execute0_lowered:
.L_overlay_start_1:
0x0: {  	(tag) =	ssettag $0x1  }
0x1: {  	s1 =	rddreg [dreg:$0x0]  }
0x2: {  	s8 =	rddreg [dreg:$0x1]  }
0x3: {  	s10 =	rddreg [dreg:$0x2]  }
0x4: {  	s0 =	rddreg [dreg:$0x3]  }
0x5: {  	s3 =	simm.s32 $0x0;
	s4 =	srdreg.scid;
	s2 =	stileid.u32  }
0x6: {  	s18 =	simm.s32 $0x3;
	s19 =	simm.s32 $0x2;
	s20 =	simm.s32 $0x1C700  }
0x7: {  	s21 =	simm.s32 $0x1D700;
	s22 =	simm.s32 $0x1;
	s23 =	simm.s32 $0x0  }
0x8: {  	[smem:$0x7FF] =	sst s3;
	s4 =	sand.u32 $0x1, s4;
	s5 =	sshll.u32 s2, $0x9  }
0x9: {  	s6 =	sshrl.u32 s2, $0x1;
	s13 =	sadd.s32 $0x1000, s10;
	s16 =	sadd.s32 $0x2000, s10  }
0xa: {  	s31 =	sadd.s32 $0x3000, s10;
	s7 =	sshll.u32 s4, $0x8;
	s5 =	sand.u32 $0x200, s5  }
0xb: {  	s9 =	smul.u32 $0xC3800, s6;
	_ =	strace $0x80000047;
	s4 =	ssub.s32 $0x2, s4  }
0xc: {  	s11 =	sshll.u32 s6, $0x11;
	s7 =	sor.u32 s7, s5;
	s30 =	sshrl.u32 s4, $0x1  }
0xd: {  	s5 =	sor.u32 s9, s7;
	s12 =	sor.u32 s11, s7;
	s14 =	ssub.s32 s4, s30  }
0xe: {  	s15 =	sor.u32 $0x80, s7;
	s5 =	sshrl.u32 s5, $0x3;
	s12 =	sshrl.u32 s12, $0x3  }
0xf: {  	s9 =	sor.u32 s9, s15;
	s11 =	sor.u32 s11, s15;
	s14 =	smax.u32 s14, $0x1  }
0x10: {  	s15 =	simm.s32 $0x80;
	s4 =	sadd.s32 s8, s5;
	s5 =	sadd.s32 s10, s12  }
0x11: {  	s6 =	sadd.s32 s12, s13;
	s7 =	sadd.s32 s12, s16;
	s9 =	sshrl.u32 s9, $0x3  }
0x12: {  	s17 =	sshrl.u32 s11, $0x3;
	s8 =	sadd.s32 s8, s9;
	s9 =	sadd.s32 s12, s31  }
0x13: {  	s10 =	sadd.s32 s10, s17;
	s11 =	sadd.s32 s17, s13;
	s12 =	sadd.s32 s17, s16  }
0x14: {  	s13 =	sadd.s32 s17, s31;
	s16 =	simm.s32 $0x400;
	s17 =	simm.s32 $0x4000  }
.LBB2_1:
0x15: {  	[tilespmem:s17], [sflag:$0x2] =	stream.strided.gather [hbm4b:s4+s15], $0x18700, s16, s15, $0x38;
	[tilespmem:$0x1E700] =	vst v63  }
0x16: {  	_ = 	snop  }
0x17: {  	[tilespmem:s3], [sflag:$0x3] =	stream.linear.gather [hbm4b:s1+s3], $0x4000, $0x38;
	[tilespmem:$0x1E700] =	vst v63  }
0x18: {  	_ =	swait.ge [sflag:s18], $0x4000  }
0x19: {  	[sflag:s18] =	ssyncset.done $0x0  }
0x1a: {  	[sflag:s18] =	ssyncadd.s32 $0xFFFFC000  }
0x1b: {  	_ =	swait.ge [sflag:s19], $0x18700  }
0x1c: {  	[sflag:s19] =	ssyncset.done $0x0  }
0x1d: {  	s24 =	simm.s32 $0x20;
	[sflag:s19] =	ssyncadd.s32 $0xFFFE7900  }
0x1e: {  	v0 =	vld [tilespmem:s24+$0x10];
	_ =	sdelay $0x1  }
0x1f: {  	v2 =	vld [tilespmem:s24+$0xFFFFFFE0]  }
0x20: {  	v3 =	vld [tilespmem:s24+$0xFFFFFFF0]  }
0x21: {  	s31 =	simm.s32 $0x60;
	v4 =	vld [tilespmem:s24+$0x0]  }
0x22: {  	v7 =	vld [tilespmem:s31+$0x10]  }
0x23: {  	v1 =	vld [tilespmem:s31+$0xFFFFFFF0]  }
0x24: {  	v6 =	vld [tilespmem:s31+$0xFFFFFFE0]  }
0x25: {  	v8 =	vld.idx.msk [tilespmem:v0+s17+$0x0], $0xffff  }
0x26: {  	v0 =	vld [tilespmem:s31+$0x0]  }
0x27: {  	v5 =	vld.idx.msk [tilespmem:v2+s17+$0x0], $0xffff  }
0x28: {  	v2 =	vld.idx.msk [tilespmem:v3+s17+$0x0], $0xffff  }
0x29: {  	s24 =	simm.s32 $0x1C720;
	v3 =	vld.idx.msk [tilespmem:v4+s17+$0x0], $0xffff  }
0x2a: {  	s25 =	simm.s32 $0x40;
	s26 =	simm.s32 $0xA0;
	v4 =	vld.idx.msk [tilespmem:v7+s17+$0x0], $0xffff;
	[tilespmem:s24+$0x10] =	vst v8  }
.LBB2_2:
0x2b: {  	v7 =	vld [tilespmem:s26+$0x10];
	s25 =	sadd.s32 $0x40, s25  }
0x2c: {  	v8 =	vld [tilespmem:s26+$0xFFFFFFF0];
	p0 =	slt.u32 s25, $0xFC0;
	[tilespmem:s24+$0xFFFFFFE0] =	vst v5  }
0x2d: {  	v9 =	vld [tilespmem:s26+$0x0];
	[tilespmem:s24+$0xFFFFFFF0] =	vst v2  }
0x2e: {  	v10 =	vld [tilespmem:s26+$0xFFFFFFE0];
	[tilespmem:s24+$0x0] =	vst v3  }
.Ltmp0:
0x2f: {  	s24 =	sadd.s32 $0x40, s24;
	v5 =	vld.idx.msk [tilespmem:v6+s17+$0x0], $0xffff;
	(pc) =	sbr.rel @p0 .LBB2_2-.Ltmp0, $4  }
0x30: {  	v2 =	vld.idx.msk [tilespmem:v1+s17+$0x0], $0xffff;
	[tilespmem:s24+$0x10] =	vst v4  }
0x31: {  	v3 =	vld.idx.msk [tilespmem:v0+s17+$0x0], $0xffff;
	v1 =	vmov v8  }
0x32: {  	v0 =	vmov v9  }
0x33: {  	s26 =	sadd.s32 $0x40, s26;
	v4 =	vld.idx.msk [tilespmem:v7+s17+$0x0], $0xffff;
	v6 =	vmov v10  }
0x34: {  	_ =	sdelay $0x3  }
0x35: {  	v6 =	vld.idx.msk [tilespmem:v6+s17+$0x0], $0xffff  }
0x36: {  	[tilespmem:s24+$0xFFFFFFE0] =	vst v5;
	v1 =	vld.idx.msk [tilespmem:v1+s17+$0x0], $0xffff  }
0x37: {  	v0 =	vld.idx.msk [tilespmem:v0+s17+$0x0], $0xffff;
	[tilespmem:s24+$0xFFFFFFF0] =	vst v2  }
0x38: {  	s29 =	sadd.s32 $0x40, s24;
	[tilespmem:s24+$0x0] =	vst v3  }
0x39: {  	[tilespmem:s29+$0x10] =	vst v4  }
0x3a: {  	[tilespmem:s29+$0xFFFFFFE0] =	vst v6  }
0x3b: {  	[tilespmem:s29+$0xFFFFFFF0] =	vst v1  }
0x3c: {  	s30 =	simm.s32 $0x1030;
	s25 =	simm.s32 $0x0;
	[tilespmem:s29+$0x0] =	vst v0  }
0x3d: {  	[hbm4b:s5+s15] =	stream.strided.scatter [tilespmem:s20], [sflag:$0x1], $0x1000, s16, s15, $0x38;
	[tilespmem:$0x1E700] =	vst v63  }
0x3e: {  	s25 =	sand.u32 $0xFC0, s25;
	v1 =	vld [tilespmem:s30+$0xFFFFFFE0]  }
0x3f: {  	v2 =	vld [tilespmem:s25+$0x1000]  }
0x40: {  	v3 =	vld [tilespmem:s30+$0xFFFFFFF0]  }
0x41: {  	v8 =	vld [tilespmem:s30+$0x0]  }
0x42: {  	s26 =	simm.s32 $0x1070  }
0x43: {  	v4 =	vld [tilespmem:s26+$0xFFFFFFE0];
	s25 =	simm.s32 $0x40  }
0x44: {  	v0 =	vld [tilespmem:s26+$0xFFFFFFF0];
	s31 =	sand.u32 $0xFC0, s25  }
0x45: {  	v5 =	vld [tilespmem:s31+$0x1000]  }
0x46: {  	v1 =	vld.idx.msk [tilespmem:v1+s17+$0x0], $0xffff  }
0x47: {  	v7 =	vld.idx.msk [tilespmem:v2+s17+$0x0], $0xffff  }
0x48: {  	v6 =	vld.idx.msk [tilespmem:v3+s17+$0x0], $0xffff  }
0x49: {  	v3 =	vld.idx.msk [tilespmem:v8+s17+$0x0], $0xffff  }
0x4a: {  	v2 =	vld [tilespmem:s26+$0x0]  }
0x4b: {  	s24 =	simm.s32 $0x1D720;
	s26 =	simm.s32 $0x10B0  }
.LBB2_4:
0x4c: {  	v8 =	vld [tilespmem:s26+$0xFFFFFFE0];
	[tilespmem:s24+$0xFFFFFFE0] =	vst v7  }
0x4d: {  	v9 =	vld [tilespmem:s26+$0xFFFFFFF0];
	[tilespmem:s24+$0xFFFFFFF0] =	vst v1  }
0x4e: {  	s25 =	sadd.s32 $0x40, s25;
	v1 =	vld.idx.msk [tilespmem:v4+s17+$0x0], $0xffff;
	[tilespmem:s24+$0x0] =	vst v6  }
0x4f: {  	s28 =	sand.u32 $0xFC0, s25;
	p0 =	slt.u32 s25, $0xFC0;
	v7 =	vld.idx.msk [tilespmem:v5+s17+$0x0], $0xffff;
	[tilespmem:s24+$0x10] =	vst v3  }
.Ltmp1:
0x50: {  	v5 =	vld [tilespmem:s28+$0x1000];
	(pc) =	sbr.rel @p0 .LBB2_4-.Ltmp1, $4  }
0x51: {  	v6 =	vld.idx.msk [tilespmem:v0+s17+$0x0], $0xffff;
	v4 =	vmov v8  }
0x52: {  	v3 =	vld.idx.msk [tilespmem:v2+s17+$0x0], $0xffff;
	v0 =	vmov v9  }
0x53: {  	v2 =	vld [tilespmem:s26+$0x0]  }
0x54: {  	s24 =	sadd.s32 $0x40, s24;
	s26 =	sadd.s32 $0x40, s26  }
0x55: {  	_ =	sdelay $0x3  }
0x56: {  	v5 =	vld.idx.msk [tilespmem:v5+s17+$0x0], $0xffff  }
0x57: {  	[tilespmem:s24+$0xFFFFFFE0] =	vst v7;
	v4 =	vld.idx.msk [tilespmem:v4+s17+$0x0], $0xffff  }
0x58: {  	[tilespmem:s24+$0xFFFFFFF0] =	vst v1;
	v0 =	vld.idx.msk [tilespmem:v0+s17+$0x0], $0xffff  }
0x59: {  	[tilespmem:s24+$0x0] =	vst v6;
	v1 =	vld.idx.msk [tilespmem:v2+s17+$0x0], $0xffff  }
0x5a: {  	s29 =	sadd.s32 $0x40, s24;
	[tilespmem:s24+$0x10] =	vst v3  }
0x5b: {  	[tilespmem:s29+$0xFFFFFFE0] =	vst v5  }
0x5c: {  	[tilespmem:s29+$0xFFFFFFF0] =	vst v4  }
0x5d: {  	[tilespmem:s29+$0x0] =	vst v0  }
0x5e: {  	[tilespmem:s29+$0x10] =	vst v1  }
0x5f: {  	[hbm4b:s6+s15] =	stream.strided.scatter [tilespmem:s21], [sflag:$0x1], $0x1000, s16, s15, $0x38;
	[tilespmem:$0x1E700] =	vst v63  }
0x60: {  	_ =	swait.ge [sflag:s22], $0x1000  }
0x61: {  	[sflag:s22] =	ssyncset.done $0x0  }
0x62: {  	s30 =	simm.s32 $0x2030;
	s25 =	simm.s32 $0x0;
	[sflag:s22] =	ssyncadd.s32 $0xFFFFF000  }
0x63: {  	s25 =	sand.u32 $0xFC0, s25;
	v1 =	vld [tilespmem:s30+$0xFFFFFFE0]  }
0x64: {  	v2 =	vld [tilespmem:s25+$0x2000]  }
0x65: {  	v3 =	vld [tilespmem:s30+$0xFFFFFFF0]  }
0x66: {  	v8 =	vld [tilespmem:s30+$0x0]  }
0x67: {  	s26 =	simm.s32 $0x2070  }
0x68: {  	v4 =	vld [tilespmem:s26+$0xFFFFFFE0];
	s25 =	simm.s32 $0x40  }
0x69: {  	v0 =	vld [tilespmem:s26+$0xFFFFFFF0];
	s31 =	sand.u32 $0xFC0, s25  }
0x6a: {  	v5 =	vld [tilespmem:s31+$0x2000]  }
0x6b: {  	v1 =	vld.idx.msk [tilespmem:v1+s17+$0x0], $0xffff  }
0x6c: {  	v7 =	vld.idx.msk [tilespmem:v2+s17+$0x0], $0xffff  }
0x6d: {  	v6 =	vld.idx.msk [tilespmem:v3+s17+$0x0], $0xffff  }
0x6e: {  	v3 =	vld.idx.msk [tilespmem:v8+s17+$0x0], $0xffff  }
0x6f: {  	v2 =	vld [tilespmem:s26+$0x0]  }
0x70: {  	s24 =	simm.s32 $0x1C720;
	s26 =	simm.s32 $0x20B0  }
.LBB2_6:
0x71: {  	v8 =	vld [tilespmem:s26+$0xFFFFFFE0];
	[tilespmem:s24+$0xFFFFFFE0] =	vst v7  }
0x72: {  	v9 =	vld [tilespmem:s26+$0xFFFFFFF0];
	[tilespmem:s24+$0xFFFFFFF0] =	vst v1  }
0x73: {  	s25 =	sadd.s32 $0x40, s25;
	v1 =	vld.idx.msk [tilespmem:v4+s17+$0x0], $0xffff;
	[tilespmem:s24+$0x0] =	vst v6  }
0x74: {  	s28 =	sand.u32 $0xFC0, s25;
	p0 =	slt.u32 s25, $0xFC0;
	v7 =	vld.idx.msk [tilespmem:v5+s17+$0x0], $0xffff;
	[tilespmem:s24+$0x10] =	vst v3  }
.Ltmp2:
0x75: {  	v5 =	vld [tilespmem:s28+$0x2000];
	(pc) =	sbr.rel @p0 .LBB2_6-.Ltmp2, $4  }
0x76: {  	v6 =	vld.idx.msk [tilespmem:v0+s17+$0x0], $0xffff;
	v4 =	vmov v8  }
0x77: {  	v3 =	vld.idx.msk [tilespmem:v2+s17+$0x0], $0xffff;
	v0 =	vmov v9  }
0x78: {  	v2 =	vld [tilespmem:s26+$0x0]  }
0x79: {  	s24 =	sadd.s32 $0x40, s24;
	s26 =	sadd.s32 $0x40, s26  }
0x7a: {  	_ =	sdelay $0x3  }
0x7b: {  	v5 =	vld.idx.msk [tilespmem:v5+s17+$0x0], $0xffff  }
0x7c: {  	[tilespmem:s24+$0xFFFFFFE0] =	vst v7;
	v4 =	vld.idx.msk [tilespmem:v4+s17+$0x0], $0xffff  }
0x7d: {  	[tilespmem:s24+$0xFFFFFFF0] =	vst v1;
	v0 =	vld.idx.msk [tilespmem:v0+s17+$0x0], $0xffff  }
0x7e: {  	[tilespmem:s24+$0x0] =	vst v6;
	v1 =	vld.idx.msk [tilespmem:v2+s17+$0x0], $0xffff  }
0x7f: {  	s29 =	sadd.s32 $0x40, s24;
	[tilespmem:s24+$0x10] =	vst v3  }
0x80: {  	[tilespmem:s29+$0xFFFFFFE0] =	vst v5  }
0x81: {  	[tilespmem:s29+$0xFFFFFFF0] =	vst v4  }
0x82: {  	[tilespmem:s29+$0x0] =	vst v0  }
0x83: {  	[tilespmem:s29+$0x10] =	vst v1  }
0x84: {  	[hbm4b:s7+s15] =	stream.strided.scatter [tilespmem:s20], [sflag:$0x1], $0x1000, s16, s15, $0x38;
	[tilespmem:$0x1E700] =	vst v63  }
0x85: {  	_ =	swait.ge [sflag:s22], $0x1000  }
0x86: {  	[sflag:s22] =	ssyncset.done $0x0  }
0x87: {  	s30 =	simm.s32 $0x3030;
	s25 =	simm.s32 $0x0;
	[sflag:s22] =	ssyncadd.s32 $0xFFFFF000  }
0x88: {  	s25 =	sand.u32 $0xFC0, s25;
	v1 =	vld [tilespmem:s30+$0xFFFFFFE0]  }
0x89: {  	v2 =	vld [tilespmem:s25+$0x3000]  }
0x8a: {  	v3 =	vld [tilespmem:s30+$0xFFFFFFF0]  }
0x8b: {  	v8 =	vld [tilespmem:s30+$0x0]  }
0x8c: {  	s26 =	simm.s32 $0x3070  }
0x8d: {  	v4 =	vld [tilespmem:s26+$0xFFFFFFE0];
	s25 =	simm.s32 $0x40  }
0x8e: {  	v0 =	vld [tilespmem:s26+$0xFFFFFFF0];
	s31 =	sand.u32 $0xFC0, s25  }
0x8f: {  	v5 =	vld [tilespmem:s31+$0x3000]  }
0x90: {  	v1 =	vld.idx.msk [tilespmem:v1+s17+$0x0], $0xffff  }
0x91: {  	v7 =	vld.idx.msk [tilespmem:v2+s17+$0x0], $0xffff  }
0x92: {  	v6 =	vld.idx.msk [tilespmem:v3+s17+$0x0], $0xffff  }
0x93: {  	v3 =	vld.idx.msk [tilespmem:v8+s17+$0x0], $0xffff  }
0x94: {  	v2 =	vld [tilespmem:s26+$0x0]  }
0x95: {  	s24 =	simm.s32 $0x1D720;
	s26 =	simm.s32 $0x30B0  }
.LBB2_8:
0x96: {  	v8 =	vld [tilespmem:s26+$0xFFFFFFE0];
	[tilespmem:s24+$0xFFFFFFE0] =	vst v7  }
0x97: {  	v9 =	vld [tilespmem:s26+$0xFFFFFFF0];
	[tilespmem:s24+$0xFFFFFFF0] =	vst v1  }
0x98: {  	s25 =	sadd.s32 $0x40, s25;
	v1 =	vld.idx.msk [tilespmem:v4+s17+$0x0], $0xffff;
	[tilespmem:s24+$0x0] =	vst v6  }
0x99: {  	s28 =	sand.u32 $0xFC0, s25;
	p0 =	slt.u32 s25, $0xFC0;
	v7 =	vld.idx.msk [tilespmem:v5+s17+$0x0], $0xffff;
	[tilespmem:s24+$0x10] =	vst v3  }
.Ltmp3:
0x9a: {  	v5 =	vld [tilespmem:s28+$0x3000];
	(pc) =	sbr.rel @p0 .LBB2_8-.Ltmp3, $4  }
0x9b: {  	v6 =	vld.idx.msk [tilespmem:v0+s17+$0x0], $0xffff;
	v4 =	vmov v8  }
0x9c: {  	v3 =	vld.idx.msk [tilespmem:v2+s17+$0x0], $0xffff;
	v0 =	vmov v9  }
0x9d: {  	v2 =	vld [tilespmem:s26+$0x0]  }
0x9e: {  	s24 =	sadd.s32 $0x40, s24;
	s26 =	sadd.s32 $0x40, s26  }
0x9f: {  	_ =	sdelay $0x3  }
0xa0: {  	v5 =	vld.idx.msk [tilespmem:v5+s17+$0x0], $0xffff  }
0xa1: {  	[tilespmem:s24+$0xFFFFFFE0] =	vst v7;
	v4 =	vld.idx.msk [tilespmem:v4+s17+$0x0], $0xffff  }
0xa2: {  	[tilespmem:s24+$0xFFFFFFF0] =	vst v1;
	v0 =	vld.idx.msk [tilespmem:v0+s17+$0x0], $0xffff  }
0xa3: {  	[tilespmem:s24+$0x0] =	vst v6;
	v1 =	vld.idx.msk [tilespmem:v2+s17+$0x0], $0xffff  }
0xa4: {  	s29 =	sadd.s32 $0x40, s24;
	[tilespmem:s24+$0x10] =	vst v3  }
0xa5: {  	[tilespmem:s29+$0xFFFFFFE0] =	vst v5  }
0xa6: {  	[tilespmem:s29+$0xFFFFFFF0] =	vst v4  }
0xa7: {  	[tilespmem:s29+$0x0] =	vst v0  }
0xa8: {  	[tilespmem:s29+$0x10] =	vst v1  }
0xa9: {  	[tilespmem:s17], [sflag:$0x2] =	stream.strided.gather [hbm4b:s8+s15], $0x18700, s16, s15, $0x38;
	[tilespmem:$0x1E700] =	vst v63  }
0xaa: {  	_ = 	snop  }
0xab: {  	[hbm4b:s9+s15] =	stream.strided.scatter [tilespmem:s21], [sflag:$0x1], $0x1000, s16, s15, $0x38;
	[tilespmem:$0x1E700] =	vst v63  }
0xac: {  	_ =	swait.ge [sflag:s19], $0x18700  }
0xad: {  	[sflag:s19] =	ssyncset.done $0x0  }
0xae: {  	[sflag:s19] =	ssyncadd.s32 $0xFFFE7900  }
0xaf: {  	_ =	swait.ge [sflag:s22], $0x1000  }
0xb0: {  	[sflag:s22] =	ssyncset.done $0x0  }
0xb1: {  	s30 =	simm.s32 $0x20;
	[sflag:s22] =	ssyncadd.s32 $0xFFFFF000  }
0xb2: {  	v0 =	vld [tilespmem:s30+$0x10];
	_ =	sdelay $0x1  }
0xb3: {  	v2 =	vld [tilespmem:s30+$0xFFFFFFE0]  }
0xb4: {  	v3 =	vld [tilespmem:s30+$0xFFFFFFF0]  }
0xb5: {  	s31 =	simm.s32 $0x60;
	v4 =	vld [tilespmem:s30+$0x0]  }
0xb6: {  	v7 =	vld [tilespmem:s31+$0x10]  }
0xb7: {  	v1 =	vld [tilespmem:s31+$0xFFFFFFF0]  }
0xb8: {  	v6 =	vld [tilespmem:s31+$0xFFFFFFE0]  }
0xb9: {  	v8 =	vld.idx.msk [tilespmem:v0+s17+$0x0], $0xffff  }
0xba: {  	v0 =	vld [tilespmem:s31+$0x0]  }
0xbb: {  	v5 =	vld.idx.msk [tilespmem:v2+s17+$0x0], $0xffff  }
0xbc: {  	v2 =	vld.idx.msk [tilespmem:v3+s17+$0x0], $0xffff  }
0xbd: {  	s24 =	simm.s32 $0x1C720;
	v3 =	vld.idx.msk [tilespmem:v4+s17+$0x0], $0xffff  }
0xbe: {  	s25 =	simm.s32 $0x40;
	s26 =	simm.s32 $0xA0;
	v4 =	vld.idx.msk [tilespmem:v7+s17+$0x0], $0xffff;
	[tilespmem:s24+$0x10] =	vst v8  }
.LBB2_10:
0xbf: {  	v7 =	vld [tilespmem:s26+$0x10];
	s25 =	sadd.s32 $0x40, s25  }
0xc0: {  	v8 =	vld [tilespmem:s26+$0xFFFFFFF0];
	p0 =	slt.u32 s25, $0xFC0;
	[tilespmem:s24+$0xFFFFFFE0] =	vst v5  }
0xc1: {  	v9 =	vld [tilespmem:s26+$0x0];
	[tilespmem:s24+$0xFFFFFFF0] =	vst v2  }
0xc2: {  	v10 =	vld [tilespmem:s26+$0xFFFFFFE0];
	[tilespmem:s24+$0x0] =	vst v3  }
.Ltmp4:
0xc3: {  	s24 =	sadd.s32 $0x40, s24;
	v5 =	vld.idx.msk [tilespmem:v6+s17+$0x0], $0xffff;
	(pc) =	sbr.rel @p0 .LBB2_10-.Ltmp4, $4  }
0xc4: {  	v2 =	vld.idx.msk [tilespmem:v1+s17+$0x0], $0xffff;
	[tilespmem:s24+$0x10] =	vst v4  }
0xc5: {  	v3 =	vld.idx.msk [tilespmem:v0+s17+$0x0], $0xffff;
	v1 =	vmov v8  }
0xc6: {  	v0 =	vmov v9  }
0xc7: {  	s26 =	sadd.s32 $0x40, s26;
	v4 =	vld.idx.msk [tilespmem:v7+s17+$0x0], $0xffff;
	v6 =	vmov v10  }
0xc8: {  	_ =	sdelay $0x3  }
0xc9: {  	v6 =	vld.idx.msk [tilespmem:v6+s17+$0x0], $0xffff  }
0xca: {  	[tilespmem:s24+$0xFFFFFFE0] =	vst v5;
	v1 =	vld.idx.msk [tilespmem:v1+s17+$0x0], $0xffff  }
0xcb: {  	v0 =	vld.idx.msk [tilespmem:v0+s17+$0x0], $0xffff;
	[tilespmem:s24+$0xFFFFFFF0] =	vst v2  }
0xcc: {  	s29 =	sadd.s32 $0x40, s24;
	[tilespmem:s24+$0x0] =	vst v3  }
0xcd: {  	[tilespmem:s29+$0x10] =	vst v4  }
0xce: {  	[tilespmem:s29+$0xFFFFFFE0] =	vst v6  }
0xcf: {  	[tilespmem:s29+$0xFFFFFFF0] =	vst v1  }
0xd0: {  	[tilespmem:s29+$0x0] =	vst v0  }
0xd1: {  	[hbm4b:s10+s15] =	stream.strided.scatter [tilespmem:s20], [sflag:$0x1], $0x1000, s16, s15, $0x38;
	[tilespmem:$0x1E700] =	vst v63  }
0xd2: {  	_ =	swait.ge [sflag:s22], $0x1000  }
0xd3: {  	[sflag:s22] =	ssyncset.done $0x0  }
0xd4: {  	s30 =	simm.s32 $0x1030;
	s25 =	simm.s32 $0x0;
	[sflag:s22] =	ssyncadd.s32 $0xFFFFF000  }
0xd5: {  	s25 =	sand.u32 $0xFC0, s25;
	v1 =	vld [tilespmem:s30+$0xFFFFFFE0]  }
0xd6: {  	v2 =	vld [tilespmem:s25+$0x1000]  }
0xd7: {  	v3 =	vld [tilespmem:s30+$0xFFFFFFF0]  }
0xd8: {  	v8 =	vld [tilespmem:s30+$0x0]  }
0xd9: {  	s26 =	simm.s32 $0x1070  }
0xda: {  	v4 =	vld [tilespmem:s26+$0xFFFFFFE0];
	s25 =	simm.s32 $0x40  }
0xdb: {  	v0 =	vld [tilespmem:s26+$0xFFFFFFF0];
	s31 =	sand.u32 $0xFC0, s25  }
0xdc: {  	v5 =	vld [tilespmem:s31+$0x1000]  }
0xdd: {  	v1 =	vld.idx.msk [tilespmem:v1+s17+$0x0], $0xffff  }
0xde: {  	v7 =	vld.idx.msk [tilespmem:v2+s17+$0x0], $0xffff  }
0xdf: {  	v6 =	vld.idx.msk [tilespmem:v3+s17+$0x0], $0xffff  }
0xe0: {  	v3 =	vld.idx.msk [tilespmem:v8+s17+$0x0], $0xffff  }
0xe1: {  	v2 =	vld [tilespmem:s26+$0x0]  }
0xe2: {  	s24 =	simm.s32 $0x1D720;
	s26 =	simm.s32 $0x10B0  }
.LBB2_12:
0xe3: {  	v8 =	vld [tilespmem:s26+$0xFFFFFFE0];
	[tilespmem:s24+$0xFFFFFFE0] =	vst v7  }
0xe4: {  	v9 =	vld [tilespmem:s26+$0xFFFFFFF0];
	[tilespmem:s24+$0xFFFFFFF0] =	vst v1  }
0xe5: {  	s25 =	sadd.s32 $0x40, s25;
	v1 =	vld.idx.msk [tilespmem:v4+s17+$0x0], $0xffff;
	[tilespmem:s24+$0x0] =	vst v6  }
0xe6: {  	s28 =	sand.u32 $0xFC0, s25;
	p0 =	slt.u32 s25, $0xFC0;
	v7 =	vld.idx.msk [tilespmem:v5+s17+$0x0], $0xffff;
	[tilespmem:s24+$0x10] =	vst v3  }
.Ltmp5:
0xe7: {  	v5 =	vld [tilespmem:s28+$0x1000];
	(pc) =	sbr.rel @p0 .LBB2_12-.Ltmp5, $4  }
0xe8: {  	v6 =	vld.idx.msk [tilespmem:v0+s17+$0x0], $0xffff;
	v4 =	vmov v8  }
0xe9: {  	v3 =	vld.idx.msk [tilespmem:v2+s17+$0x0], $0xffff;
	v0 =	vmov v9  }
0xea: {  	v2 =	vld [tilespmem:s26+$0x0]  }
0xeb: {  	s24 =	sadd.s32 $0x40, s24;
	s26 =	sadd.s32 $0x40, s26  }
0xec: {  	_ =	sdelay $0x3  }
0xed: {  	v5 =	vld.idx.msk [tilespmem:v5+s17+$0x0], $0xffff  }
0xee: {  	[tilespmem:s24+$0xFFFFFFE0] =	vst v7;
	v4 =	vld.idx.msk [tilespmem:v4+s17+$0x0], $0xffff  }
0xef: {  	[tilespmem:s24+$0xFFFFFFF0] =	vst v1;
	v0 =	vld.idx.msk [tilespmem:v0+s17+$0x0], $0xffff  }
0xf0: {  	[tilespmem:s24+$0x0] =	vst v6;
	v1 =	vld.idx.msk [tilespmem:v2+s17+$0x0], $0xffff  }
0xf1: {  	s29 =	sadd.s32 $0x40, s24;
	[tilespmem:s24+$0x10] =	vst v3  }
0xf2: {  	[tilespmem:s29+$0xFFFFFFE0] =	vst v5  }
0xf3: {  	[tilespmem:s29+$0xFFFFFFF0] =	vst v4  }
0xf4: {  	[tilespmem:s29+$0x0] =	vst v0  }
0xf5: {  	[tilespmem:s29+$0x10] =	vst v1  }
0xf6: {  	[hbm4b:s11+s15] =	stream.strided.scatter [tilespmem:s21], [sflag:$0x1], $0x1000, s16, s15, $0x38;
	[tilespmem:$0x1E700] =	vst v63  }
0xf7: {  	_ =	swait.ge [sflag:s22], $0x1000  }
0xf8: {  	[sflag:s22] =	ssyncset.done $0x0  }
0xf9: {  	s30 =	simm.s32 $0x2030;
	s25 =	simm.s32 $0x0;
	[sflag:s22] =	ssyncadd.s32 $0xFFFFF000  }
0xfa: {  	s25 =	sand.u32 $0xFC0, s25;
	v1 =	vld [tilespmem:s30+$0xFFFFFFE0]  }
0xfb: {  	v2 =	vld [tilespmem:s25+$0x2000]  }
0xfc: {  	v3 =	vld [tilespmem:s30+$0xFFFFFFF0]  }
0xfd: {  	v8 =	vld [tilespmem:s30+$0x0]  }
0xfe: {  	s26 =	simm.s32 $0x2070  }
0xff: {  	v4 =	vld [tilespmem:s26+$0xFFFFFFE0];
	s25 =	simm.s32 $0x40  }
0x100: {  	v0 =	vld [tilespmem:s26+$0xFFFFFFF0];
	s31 =	sand.u32 $0xFC0, s25  }
0x101: {  	v5 =	vld [tilespmem:s31+$0x2000]  }
0x102: {  	v1 =	vld.idx.msk [tilespmem:v1+s17+$0x0], $0xffff  }
0x103: {  	v7 =	vld.idx.msk [tilespmem:v2+s17+$0x0], $0xffff  }
0x104: {  	v6 =	vld.idx.msk [tilespmem:v3+s17+$0x0], $0xffff  }
0x105: {  	v3 =	vld.idx.msk [tilespmem:v8+s17+$0x0], $0xffff  }
0x106: {  	v2 =	vld [tilespmem:s26+$0x0]  }
0x107: {  	s24 =	simm.s32 $0x1C720;
	s26 =	simm.s32 $0x20B0  }
.LBB2_14:
0x108: {  	v8 =	vld [tilespmem:s26+$0xFFFFFFE0];
	[tilespmem:s24+$0xFFFFFFE0] =	vst v7  }
0x109: {  	v9 =	vld [tilespmem:s26+$0xFFFFFFF0];
	[tilespmem:s24+$0xFFFFFFF0] =	vst v1  }
0x10a: {  	s25 =	sadd.s32 $0x40, s25;
	v1 =	vld.idx.msk [tilespmem:v4+s17+$0x0], $0xffff;
	[tilespmem:s24+$0x0] =	vst v6  }
0x10b: {  	s28 =	sand.u32 $0xFC0, s25;
	p0 =	slt.u32 s25, $0xFC0;
	v7 =	vld.idx.msk [tilespmem:v5+s17+$0x0], $0xffff;
	[tilespmem:s24+$0x10] =	vst v3  }
.Ltmp6:
0x10c: {  	v5 =	vld [tilespmem:s28+$0x2000];
	(pc) =	sbr.rel @p0 .LBB2_14-.Ltmp6, $4  }
0x10d: {  	v6 =	vld.idx.msk [tilespmem:v0+s17+$0x0], $0xffff;
	v4 =	vmov v8  }
0x10e: {  	v3 =	vld.idx.msk [tilespmem:v2+s17+$0x0], $0xffff;
	v0 =	vmov v9  }
0x10f: {  	v2 =	vld [tilespmem:s26+$0x0]  }
0x110: {  	s24 =	sadd.s32 $0x40, s24;
	s26 =	sadd.s32 $0x40, s26  }
0x111: {  	_ =	sdelay $0x3  }
0x112: {  	v5 =	vld.idx.msk [tilespmem:v5+s17+$0x0], $0xffff  }
0x113: {  	[tilespmem:s24+$0xFFFFFFE0] =	vst v7;
	v4 =	vld.idx.msk [tilespmem:v4+s17+$0x0], $0xffff  }
0x114: {  	[tilespmem:s24+$0xFFFFFFF0] =	vst v1;
	v0 =	vld.idx.msk [tilespmem:v0+s17+$0x0], $0xffff  }
0x115: {  	[tilespmem:s24+$0x0] =	vst v6;
	v1 =	vld.idx.msk [tilespmem:v2+s17+$0x0], $0xffff  }
0x116: {  	s29 =	sadd.s32 $0x40, s24;
	[tilespmem:s24+$0x10] =	vst v3  }
0x117: {  	[tilespmem:s29+$0xFFFFFFE0] =	vst v5  }
0x118: {  	[tilespmem:s29+$0xFFFFFFF0] =	vst v4  }
0x119: {  	[tilespmem:s29+$0x0] =	vst v0  }
0x11a: {  	[tilespmem:s29+$0x10] =	vst v1  }
0x11b: {  	[hbm4b:s12+s15] =	stream.strided.scatter [tilespmem:s20], [sflag:$0x1], $0x1000, s16, s15, $0x38;
	[tilespmem:$0x1E700] =	vst v63  }
0x11c: {  	_ =	swait.ge [sflag:s22], $0x1000  }
0x11d: {  	[sflag:s22] =	ssyncset.done $0x0  }
0x11e: {  	s30 =	simm.s32 $0x3030;
	s25 =	simm.s32 $0x0;
	[sflag:s22] =	ssyncadd.s32 $0xFFFFF000  }
0x11f: {  	s25 =	sand.u32 $0xFC0, s25;
	v1 =	vld [tilespmem:s30+$0xFFFFFFE0]  }
0x120: {  	v2 =	vld [tilespmem:s25+$0x3000]  }
0x121: {  	v3 =	vld [tilespmem:s30+$0xFFFFFFF0]  }
0x122: {  	v8 =	vld [tilespmem:s30+$0x0]  }
0x123: {  	s26 =	simm.s32 $0x3070  }
0x124: {  	v4 =	vld [tilespmem:s26+$0xFFFFFFE0];
	s25 =	simm.s32 $0x40  }
0x125: {  	v0 =	vld [tilespmem:s26+$0xFFFFFFF0];
	s31 =	sand.u32 $0xFC0, s25  }
0x126: {  	v5 =	vld [tilespmem:s31+$0x3000]  }
0x127: {  	v1 =	vld.idx.msk [tilespmem:v1+s17+$0x0], $0xffff  }
0x128: {  	v7 =	vld.idx.msk [tilespmem:v2+s17+$0x0], $0xffff  }
0x129: {  	v6 =	vld.idx.msk [tilespmem:v3+s17+$0x0], $0xffff  }
0x12a: {  	v3 =	vld.idx.msk [tilespmem:v8+s17+$0x0], $0xffff  }
0x12b: {  	v2 =	vld [tilespmem:s26+$0x0]  }
0x12c: {  	s24 =	simm.s32 $0x1D720;
	s26 =	simm.s32 $0x30B0  }
.LBB2_16:
0x12d: {  	v8 =	vld [tilespmem:s26+$0xFFFFFFE0];
	[tilespmem:s24+$0xFFFFFFE0] =	vst v7  }
0x12e: {  	v9 =	vld [tilespmem:s26+$0xFFFFFFF0];
	[tilespmem:s24+$0xFFFFFFF0] =	vst v1  }
0x12f: {  	s25 =	sadd.s32 $0x40, s25;
	v1 =	vld.idx.msk [tilespmem:v4+s17+$0x0], $0xffff;
	[tilespmem:s24+$0x0] =	vst v6  }
0x130: {  	s28 =	sand.u32 $0xFC0, s25;
	p0 =	slt.u32 s25, $0xFC0;
	v7 =	vld.idx.msk [tilespmem:v5+s17+$0x0], $0xffff;
	[tilespmem:s24+$0x10] =	vst v3  }
.Ltmp7:
0x131: {  	v5 =	vld [tilespmem:s28+$0x3000];
	(pc) =	sbr.rel @p0 .LBB2_16-.Ltmp7, $4  }
0x132: {  	v6 =	vld.idx.msk [tilespmem:v0+s17+$0x0], $0xffff;
	v4 =	vmov v8  }
0x133: {  	v3 =	vld.idx.msk [tilespmem:v2+s17+$0x0], $0xffff;
	v0 =	vmov v9  }
0x134: {  	v2 =	vld [tilespmem:s26+$0x0]  }
0x135: {  	s24 =	sadd.s32 $0x40, s24;
	s26 =	sadd.s32 $0x40, s26  }
0x136: {  	_ =	sdelay $0x3  }
0x137: {  	v5 =	vld.idx.msk [tilespmem:v5+s17+$0x0], $0xffff  }
0x138: {  	[tilespmem:s24+$0xFFFFFFE0] =	vst v7;
	v4 =	vld.idx.msk [tilespmem:v4+s17+$0x0], $0xffff  }
0x139: {  	[tilespmem:s24+$0xFFFFFFF0] =	vst v1;
	v0 =	vld.idx.msk [tilespmem:v0+s17+$0x0], $0xffff  }
0x13a: {  	[tilespmem:s24+$0x0] =	vst v6;
	v63 =	vld.idx.msk [tilespmem:v2+s17+$0x0], $0xffff  }
0x13b: {  	s31 =	sadd.s32 $0x40, s24;
	[tilespmem:s24+$0x10] =	vst v3  }
0x13c: {  	[tilespmem:s31+$0xFFFFFFE0] =	vst v5  }
0x13d: {  	[tilespmem:s31+$0xFFFFFFF0] =	vst v4  }
0x13e: {  	[tilespmem:s31+$0x0] =	vst v0  }
0x13f: {  	s23 =	sadd.s32 $0x1, s23;
	[tilespmem:s31+$0x10] =	vst v63  }
0x140: {  	[hbm4b:s13+s15] =	stream.strided.scatter [tilespmem:s21], [sflag:$0x1], $0x1000, s16, s15, $0x38;
	[tilespmem:$0x1E700] =	vst v63  }
0x141: {  	p0 =	sne.s32 s23, s14;
	_ =	swait.ge [sflag:s22], $0x1000  }
.Ltmp8:
0x142: {  	[sflag:s22] =	ssyncset.done $0x0;
	(pc) =	sbr.rel @p0 .LBB2_1-.Ltmp8, $4  }
0x143: {  	[sflag:s22] =	ssyncadd.s32 $0xFFFFF000  }
0x144: {  	_ =	swait.ge [sflag:s22], $0x1000  }
0x145: {  	[sflag:s22] =	ssyncset.done $0x0  }
0x146: {  	[sflag:s22] =	ssyncadd.s32 $0xFFFFF000  }
0x147: {  	_ =	sfence.sel $0x180000  }
0x148: {  	[bflag:$0x0] =	sbarrier.arrive $0xFFFF  }
0x149: {  	p0 =	sne.s32 s2, $0x0;
	_ =	strace $0x90000047  }
0x14a: {  	s0 =	sadd.s32 @!p0 $0x100000, s0;
	[bflag:$0x2] =	sbarrier.arrive $0xFFFF  }
0x14b: {  	[sflag:s0] =	ssyncadd.tile.s32 @!p0 $0x1;
	_ =	shalt  }
.Lfunc_end2:
_tile_overlayer_lowered:
.L_overlay_start_2:
0x14c: {  	(tag) =	ssettag $0x2  }
0x14d: {  	s0 =	rddreg [dreg:$0x0];
	s2 =	stileid.u32  }
0x14e: {  	s1 =	rddreg [dreg:$0x1];
	p0 =	sne.s32 s2, $0x0  }
0x14f: {  	s3 =	rddreg [dreg:$0x2];
	[bflag:$0x3] =	sbarrier.arrive $0xFFFF;
	s2 =	simm.s32 @!p0 $0x1C03  }
0x150: {  	[timem:s3], [sflag:s2] =	dma.local @!p0 [hbm:s0], s1  }
0x151: {  	s0 =	simm.s32 @!p0 $0x3  }
0x152: {  	_ =	swait.ge @!p0 [sflag:s0], s1  }
0x153: {  	s1 =	ssub.s32 @!p0 $0x0, s1;
	[sflag:s0] =	ssyncset.done @!p0 $0x0  }
0x154: {  	[sflag:s0] =	ssyncadd.s32 @!p0 s1  }
0x155: {  	[bflag:$0x3] =	sbarrier.arrive $0xFFFF  }
0x156: {  	_ =	shalt  }

</sc_bundles>
